<compile_context>
chip_gen: v7x
topology: tpu7x:2x2x1
jax: 0.10.2.dev20260603
libtpu: 0.0.44.dev20260713+nightly
codegen_flags: <defaults>
</compile_context>

<pallas_src>
import functools

import jax
import jax.numpy as jnp
from jax import lax
from jax.experimental import pallas as pl
from jax.experimental.pallas import tpu as pltpu
from jax.experimental.pallas import tpu_sc as plsc

B, S, DIM = 4, 4096, 64
N_HASHES = 4
BUCKET_SIZE = 64
N_BUCKETS = S // BUCKET_SIZE
N_CHUNKS = N_HASHES * N_BUCKETS
CHUNK = (N_HASHES * S) // N_CHUNKS
HS = N_HASHES * S
TOKEN_SELF_ATTN_VALUE = -5e4
NEG_BIG = 2**30

NC, NS = 2, 16
NW = NC * NS
ROWS_TOTAL = B * HS
ROWS_PER_W = ROWS_TOTAL // NW
GCHK = 128


def _hash_body(qk_ref, v_ref, rot_ref, buckets_ref, qkv_ref):
    x = qk_ref[0]
    qkv_ref[0] = jnp.concatenate([x, v_ref[0]], axis=1)
    r = jnp.dot(x, rot_ref[...], preferred_element_type=jnp.float32)
    iota = lax.broadcasted_iota(jnp.int32, (S, 2 * (N_BUCKETS // 2)), 1)
    for h in range(N_HASHES):
        seg = r[:, h * (N_BUCKETS // 2):(h + 1) * (N_BUCKETS // 2)]
        full = jnp.concatenate([seg, -seg], axis=1)
        m = jnp.max(full, axis=1, keepdims=True)
        idx = jnp.min(jnp.where(full == m, iota, NEG_BIG), axis=1)
        buckets_ref[0, h] = idx + h * N_BUCKETS


def _hash_buckets(qk, v, rot128):
    return pl.pallas_call(
        _hash_body,
        grid=(B,),
        in_specs=[
            pl.BlockSpec((1, S, DIM), lambda b: (b, 0, 0)),
            pl.BlockSpec((1, S, DIM), lambda b: (b, 0, 0)),
            pl.BlockSpec((DIM, N_HASHES * (N_BUCKETS // 2)), lambda b: (0, 0)),
        ],
        out_specs=[pl.BlockSpec((1, N_HASHES, S), lambda b: (b, 0, 0)),
                   pl.BlockSpec((1, S, 2 * DIM), lambda b: (b, 0, 0))],
        out_shape=[jax.ShapeDtypeStruct((B, N_HASHES, S), jnp.int32),
                   jax.ShapeDtypeStruct((B, S, 2 * DIM), jnp.float32)],
    )(qk, v, rot128)


def _sc_bucket_sort(buckets):
    mesh = plsc.VectorSubcoreMesh(core_axis_name="c", subcore_axis_name="s")

    NVR = S // 16

    @functools.partial(
        pl.kernel, mesh=mesh,
        compiler_params=pltpu.CompilerParams(needs_layout_passes=False),
        out_type=[jax.ShapeDtypeStruct((B, HS), jnp.int32),
                  jax.ShapeDtypeStruct((B, HS), jnp.int32)],
        scratch_types=[pltpu.VMEM((S,), jnp.int32),
                       pltpu.VMEM((S,), jnp.int32),
                       pltpu.VMEM((S,), jnp.int32),
                       pltpu.VMEM((S,), jnp.int32),
                       pltpu.VMEM((N_BUCKETS * 16,), jnp.int32),
                       pltpu.VMEM((N_BUCKETS * 16,), jnp.int32)],
    )
    def k(bk_hbm, st_hbm, undo_hbm, bk_v, rank_v, st_v, und_v, hist_v, off_v):
        wid = lax.axis_index("s") * NC + lax.axis_index("c")

        @pl.when(wid < B * N_HASHES)
        def _():
            b = wid // N_HASHES
            h = wid % N_HASHES
            pltpu.sync_copy(bk_hbm.at[b, h], bk_v)
            hoff = h * N_BUCKETS
            lane = lax.iota(jnp.int32, 16)
            zeros = jnp.zeros((16,), jnp.int32)

            def zero(i, c):
                hist_v[pl.ds(i * 16, 16)] = zeros
                return c

            lax.fori_loop(0, N_BUCKETS, zero, 0)

            def count(i, c):
                s16 = lane * NVR + i
                bkt = plsc.load_gather(bk_v, [s16]) - hoff
                slot = bkt * 16 + lane
                r = plsc.load_gather(hist_v, [slot])
                rank_v[pl.ds(i * 16, 16)] = r
                plsc.store_scatter(hist_v, [slot], r + 1)
                return c

            lax.fori_loop(0, NVR, count, 0)

            def prefix(kk, run):
                row = hist_v[pl.ds(kk * 16, 16)]
                csum = plsc.cumsum(row)
                off_v[pl.ds(kk * 16, 16)] = (csum - row) + run
                return run + jnp.sum(row)

            lax.fori_loop(0, N_BUCKETS, prefix, 0)

            def place(i, c):
                s16 = lane * NVR + i
                bkt = plsc.load_gather(bk_v, [s16]) - hoff
                slot = bkt * 16 + lane
                base = plsc.load_gather(off_v, [slot])
                pos16 = base + rank_v[pl.ds(i * 16, 16)]
                plsc.store_scatter(st_v, [pos16], s16)
                plsc.store_scatter(und_v, [s16], pos16 + h * S)
                return c

            lax.fori_loop(0, NVR, place, 0)
            pltpu.sync_copy(st_v, st_hbm.at[b, pl.ds(h * S, S)])
            pltpu.sync_copy(und_v, undo_hbm.at[b, pl.ds(h * S, S)])

    return k(buckets)


def _sc_gather_rows(table2, idxg):
    mesh = plsc.VectorSubcoreMesh(core_axis_name="c", subcore_axis_name="s")

    @functools.partial(
        pl.kernel, mesh=mesh,
        out_type=jax.ShapeDtypeStruct((ROWS_TOTAL, 2 * DIM), jnp.float32),
        scratch_types=[pltpu.VMEM((GCHK,), jnp.int32),
                       pltpu.VMEM((GCHK, 2 * DIM), jnp.float32),
                       pltpu.SemaphoreType.DMA],
    )
    def k(tab_hbm, idx_hbm, out_hbm, idx_v, rows_v, sem):
        wid = lax.axis_index("s") * NC + lax.axis_index("c")

        def body(j, carry):
            base = wid * ROWS_PER_W + j * GCHK
            pltpu.sync_copy(idx_hbm.at[pl.ds(base, GCHK)], idx_v)
            pltpu.async_copy(tab_hbm.at[idx_v], rows_v, sem).wait()
            pltpu.sync_copy(rows_v, out_hbm.at[pl.ds(base, GCHK)])
            return carry

        lax.fori_loop(0, ROWS_PER_W // GCHK, body, 0)

    return k(table2, idxg)


CB = 16
NB = N_CHUNKS // CB


def _attn_body(q_ref, kprev_ref, tq_ref, tprev_ref, so_ref):
    R = CB * CHUNK
    flat = q_ref[0].reshape(R, 2 * DIM)
    qall = flat[:, :DIM]
    allrows = jnp.concatenate([kprev_ref[0, 0], flat], axis=0)
    aq = allrows[:, :DIM]
    av = allrows[:, DIM:]
    ssq = jnp.sum(aq * aq, axis=1, keepdims=True)
    akn = aq / jnp.maximum(jnp.sqrt(ssq), 1e-12)

    scale = DIM ** -0.5
    dots_l = []
    for i in range(CB):
        q = qall[i * CHUNK:(i + 1) * CHUNK]
        kwin = akn[i * CHUNK:(i + 2) * CHUNK]
        d = lax.dot_general(q, kwin, (((1,), (1,)), ((), ()))) * scale
        tqi = tq_ref[0, i, 0]
        tpi = tq_ref[0, i - 1, 0] if i > 0 else tprev_ref[0, 0, 0]
        twin = jnp.concatenate([tpi, tqi], axis=0)
        d = jnp.where(tqi[:, None] == twin[None, :], TOKEN_SELF_ATTN_VALUE, d)
        dots_l.append(d)
    dots = jnp.concatenate(dots_l, axis=0)

    m = jnp.max(dots, axis=1, keepdims=True)
    e = jnp.exp(dots - m)
    ssum = jnp.sum(e, axis=1, keepdims=True)
    lse = m + jnp.log(ssum)
    p = e * (1.0 / ssum)

    for i in range(CB):
        pi = p[i * CHUNK:(i + 1) * CHUNK]
        vwin = av[i * CHUNK:(i + 2) * CHUNK]
        o = jnp.dot(pi, vwin, preferred_element_type=jnp.float32)
        pad = jnp.zeros((CHUNK, DIM - 1), dtype=jnp.float32)
        so_ref[0, i] = jnp.concatenate(
            [o, lse[i * CHUNK:(i + 1) * CHUNK], pad], axis=1)


def _attention(sqkv4, st4):
    qb = pl.BlockSpec((1, CB, CHUNK, 2 * DIM), lambda b, c: (b, c, 0, 0))
    pb = pl.BlockSpec((1, 1, CHUNK, 2 * DIM),
                      lambda b, c: (b, (c * CB - 1) % N_CHUNKS, 0, 0))
    tb = pl.BlockSpec((1, CB, 1, CHUNK), lambda b, c: (b, c, 0, 0))
    tpb = pl.BlockSpec((1, 1, 1, CHUNK),
                       lambda b, c: (b, (c * CB - 1) % N_CHUNKS, 0, 0))
    return pl.pallas_call(
        _attn_body,
        grid=(B, NB),
        in_specs=[qb, pb, tb, tpb],
        out_specs=qb,
        out_shape=jax.ShapeDtypeStruct((B, N_CHUNKS, CHUNK, 2 * DIM),
                                       jnp.float32),
    )(sqkv4, sqkv4, st4, st4)


def _combine_body(o128_ref, out_ref):
    o128 = o128_ref[0]
    lg = o128[:, :, DIM]
    m = jnp.max(lg, axis=0, keepdims=True)
    lse = m + jnp.log(jnp.sum(jnp.exp(lg - m), axis=0, keepdims=True))
    w = jnp.exp(lg - lse)
    out_ref[0] = jnp.sum(o128[:, :, :DIM] * w[:, :, None], axis=0)


def _combine(o128):
    TBLK = 512
    return pl.pallas_call(
        _combine_body,
        grid=(B, S // TBLK),
        in_specs=[
            pl.BlockSpec((1, N_HASHES, TBLK, 2 * DIM),
                         lambda b, t: (b, 0, t, 0)),
        ],
        out_specs=pl.BlockSpec((1, TBLK, DIM), lambda b, t: (b, t, 0)),
        out_shape=jax.ShapeDtypeStruct((B, S, DIM), jnp.float32),
    )(o128)


def kernel(qk, v, random_rotations):
    rot128 = random_rotations[0].reshape(DIM, N_HASHES * (N_BUCKETS // 2))
    buckets, qkv = _hash_buckets(qk, v, rot128)

    bflat = buckets.reshape(B, HS)
    st, undo = _sc_bucket_sort(buckets)

    boff = (jnp.arange(B, dtype=jnp.int32) * S)[:, None]
    idxg = (st + boff).reshape(ROWS_TOTAL)
    sqkv2 = _sc_gather_rows(qkv.reshape(B * S, 2 * DIM), idxg)

    sqkv4 = sqkv2.reshape(B, N_CHUNKS, CHUNK, 2 * DIM)
    st4 = st.reshape(B, N_CHUNKS, 1, CHUNK)

    so128 = _attention(sqkv4, st4)

    uoff = (jnp.arange(B, dtype=jnp.int32) * HS)[:, None]
    undog = (undo + uoff).reshape(ROWS_TOTAL)
    o128 = _sc_gather_rows(so128.reshape(ROWS_TOTAL, 2 * DIM), undog)

    out = _combine(o128.reshape(B, N_HASHES, S, 2 * DIM))
    attn = jnp.zeros((0,), dtype=qk.dtype)
    return out, attn, bflat

# --- scband reference (transcript-rebuilt; emitter-appended) ---
"""Pipeline reference for scband-chbert-attention-head-70076686401674 (READ-ONLY COPY).

The authoritative reference and input builder live on the scoring server;
editing this copy changes nothing except your own understanding.
"""

import jax, jax.numpy as jnp
import numpy as np

B, S, DIM = 4, 4096, 64
N_HASHES = 4
BUCKET_SIZE = 64
N_BUCKETS = S // BUCKET_SIZE
TOKEN_SELF_ATTN_VALUE = -5e4


def setup_inputs(seed: int = 0) -> dict:
    key = jax.random.key(seed)
    k1, k2, k3 = jax.random.split(key, 3)
    qk = jax.random.normal(k1, (B, S, DIM), dtype=jnp.float32)
    v = jax.random.normal(k2, (B, S, DIM), dtype=jnp.float32)
    # random rotations used by hash_vectors (random_rotations_per_head=False -> leading dim 1)
    random_rotations = jax.random.normal(k3, (1, DIM, N_HASHES, N_BUCKETS // 2), dtype=jnp.float32)
    return {"qk": qk, "v": v, "random_rotations": random_rotations}


def _batched_index_select(values, indices):
    # values: [B, S, ...], indices: [B, T] -> [B, T, ...]
    return jax.vmap(lambda x, i: x[i])(values, indices)


def _look_one_back(x):
    x_extra = jnp.concatenate([x[:, -1:, ...], x[:, :-1, ...]], axis=1)
    return jnp.concatenate([x, x_extra], axis=2)


def _forward(qk, v, random_rotations):
    batch_size, seq_len, dim = qk.shape
    n_buckets = seq_len // BUCKET_SIZE
    total_hashes = N_HASHES  # add_local_attn_hash = False

    # ---- hash_vectors (dropout_for_hash is identity at p=0) ----
    rotated_vecs = jnp.einsum('btf,fhi->bhti', qk, random_rotations[0])
    rotated_vecs = jnp.concatenate([rotated_vecs, -rotated_vecs], axis=-1)
    buckets = jnp.argmax(rotated_vecs, axis=-1)  # [B, n_hashes, S]
    offsets = (jnp.arange(N_HASHES) * n_buckets).reshape(1, -1, 1)
    buckets = jnp.reshape(buckets + offsets, (batch_size, -1))  # [B, n_hashes*S]

    ticker = jnp.broadcast_to(jnp.arange(total_hashes * seq_len)[None, :], buckets.shape)
    buckets_and_t = seq_len * buckets + ticker % seq_len
    buckets_and_t = jax.lax.stop_gradient(buckets_and_t)

    # sort_key_val(buckets_and_t, ticker): sticker is the sorting permutation (ticker==arange)
    sticker = jnp.argsort(buckets_and_t, axis=-1)
    undo_sort = jnp.argsort(sticker, axis=-1)

    st = sticker % seq_len
    sqk = _batched_index_select(qk, st)
    sv = _batched_index_select(v, st)

    chunk_size = total_hashes * n_buckets
    bq_t = bkv_t = jnp.reshape(st, (batch_size, chunk_size, -1))
    bqk = jnp.reshape(sqk, (batch_size, chunk_size, -1, dim))
    bv = jnp.reshape(sv, (batch_size, chunk_size, -1, dim))

    bq = bqk
    norm = jnp.linalg.norm(bqk, axis=-1, keepdims=True)
    bk = bqk / jnp.maximum(norm, 1e-12)  # F.normalize(p=2, dim=-1)

    bk = _look_one_back(bk)
    bv = _look_one_back(bv)
    bkv_t = _look_one_back(bkv_t)

    dots = jnp.einsum('bhie,bhje->bhij', bq, bk) * (dim ** -0.5)
    # causal=False, no input masks; only self-attention mask applies
    self_mask = bq_t[:, :, :, None] == bkv_t[:, :, None, :]
    dots = jnp.where(self_mask, TOKEN_SELF_ATTN_VALUE, dots)

    dots_logsumexp = jax.scipy.special.logsumexp(dots, axis=-1, keepdims=True)
    dots = jnp.exp(dots - dots_logsumexp)  # layer dropout p=0 -> identity

    bo = jnp.einsum('buij,buje->buie', dots, bv)
    so = jnp.reshape(bo, (batch_size, -1, dim))
    slogits = jnp.reshape(dots_logsumexp, (batch_size, -1))

    # UnsortLogits
    o = _batched_index_select(so, undo_sort)
    logits = jnp.take_along_axis(slogits, undo_sort, axis=-1)

    o = jnp.reshape(o, (batch_size, total_hashes, seq_len, dim))
    logits = jnp.reshape(logits, (batch_size, total_hashes, seq_len, 1))

    # query_len == seq_len -> no slicing
    probs = jnp.exp(logits - jax.scipy.special.logsumexp(logits, axis=1, keepdims=True))
    out = jnp.sum(o * probs, axis=1)

    attn = jnp.zeros((0,), dtype=qk.dtype)  # return_attn=False
    return out, attn, buckets


def reference(qk, v, random_rotations):
    return _forward(qk, v, random_rotations)

if __name__ == "__main__":
    import jax
    _d = setup_inputs()
    print(jax.jit(kernel)(*tuple(_d.values())))

</pallas_src>

<mosaic_0001>
#map = affine_map<(d0, d1) -> (0, 0, 0)>
#map1 = affine_map<(d0, d1) -> (0, 0)>
module attributes {stable_mosaic.version = 14 : i64} {
  func.func @k(%arg0: i32, %arg1: i32, %arg2: memref<4x4x4096xi32, #tpu.memory_space<hbm>>, %arg3: memref<4x16384xi32, #tpu.memory_space<hbm>>, %arg4: memref<4x16384xi32, #tpu.memory_space<hbm>>, %arg5: memref<4096xi32, #tpu.memory_space<vmem>>, %arg6: memref<4096xi32, #tpu.memory_space<vmem>>, %arg7: memref<4096xi32, #tpu.memory_space<vmem>>, %arg8: memref<4096xi32, #tpu.memory_space<vmem>>, %arg9: memref<1024xi32, #tpu.memory_space<vmem>>, %arg10: memref<1024xi32, #tpu.memory_space<vmem>>) attributes {dimension_semantics = [#tpu.dimension_semantics<core_parallel>, #tpu.dimension_semantics<subcore_parallel>], iteration_bounds = array<i64: 2, 16>, scalar_prefetch = 0 : i64, scratch_operands = 6 : i64, tpu.core_type = #tpu.core_type<sc_vector_subcore>, window_params = [{transform_indices = #map}, {transform_indices = #map1}, {transform_indices = #map1}]} {
    %mul3A = arith.constant 2 : i32
    %mul3A_0 = arith.muli %arg1, %mul3A : i32
    %add3A = arith.addi %mul3A_0, %arg0 : i32
    %lt3A = arith.constant 16 : i32
    %lt3A_1 = arith.cmpi slt, %add3A, %lt3A : i32
    %convert_element_type3A = arith.extui %lt3A_1 : i1 to i32
    %cond3A = arith.constant 0 : i32
    %cond3A_2 = arith.cmpi ne, %convert_element_type3A, %cond3A : i32
    scf.if %cond3A_2 {
      %jit3A = arith.constant 4 : i32
      %div3A = arith.divsi %add3A, %jit3A : i32
      %sign3A = arith.constant 0 : i32
      %sign3A_3 = arith.cmpi sgt, %add3A, %sign3A : i32
      %sign3A_4 = arith.extui %sign3A_3 : i1 to i32
      %sign3A_5 = arith.constant 0 : i32
      %sign3A_6 = arith.cmpi slt, %add3A, %sign3A_5 : i32
      %sign3A_7 = arith.extui %sign3A_6 : i1 to i32
      %sign3A_8 = arith.subi %sign3A_4, %sign3A_7 : i32
      %sign3A_9 = arith.constant 0 : i32
      %sign3A_10 = arith.cmpi sgt, %jit3A, %sign3A_9 : i32
      %sign3A_11 = arith.extui %sign3A_10 : i1 to i32
      %sign3A_12 = arith.constant 0 : i32
      %sign3A_13 = arith.cmpi slt, %jit3A, %sign3A_12 : i32
      %sign3A_14 = arith.extui %sign3A_13 : i1 to i32
      %sign3A_15 = arith.subi %sign3A_11, %sign3A_14 : i32
      %ne3A = arith.cmpi ne, %sign3A_8, %sign3A_15 : i32
      %rem3A = arith.remsi %add3A, %jit3A : i32
      %ne3A_16 = arith.constant 0 : i32
      %ne3A_17 = arith.cmpi ne, %rem3A, %ne3A_16 : i32
      %and3A = arith.andi %ne3A, %ne3A_17 : i1
      %sub3A = arith.constant 1 : i32
      %sub3A_18 = arith.subi %div3A, %sub3A : i32
      %select_n3A = arith.select %and3A, %sub3A_18, %div3A : i32
      %jit3A_19 = arith.constant 4 : i32
      %eq3A = arith.constant 0 : i32
      %eq3A_20 = arith.cmpi eq, %jit3A_19, %eq3A : i32
      %jit3A_21 = arith.constant 1 : i32
      %select_n3A_22 = arith.select %eq3A_20, %jit3A_21, %jit3A_19 : i32
      %rem3A_23 = arith.remsi %add3A, %select_n3A_22 : i32
      %ne3A_24 = arith.constant 0 : i32
      %ne3A_25 = arith.cmpi ne, %rem3A_23, %ne3A_24 : i32
      %lt3A_26 = arith.constant 0 : i32
      %lt3A_27 = arith.cmpi slt, %rem3A_23, %lt3A_26 : i32
      %lt3A_28 = arith.constant 0 : i32
      %lt3A_29 = arith.cmpi slt, %select_n3A_22, %lt3A_28 : i32
      %ne3A_30 = arith.xori %lt3A_27, %lt3A_29 : i1
      %and3A_31 = arith.andi %ne3A_30, %ne3A_25 : i1
      %add3A_32 = arith.addi %rem3A_23, %select_n3A_22 : i32
      %select_n3A_33 = arith.select %and3A_31, %add3A_32, %rem3A_23 : i32
      "tpu.region"() ({
        %run_scoped3A = tpu.sem_alloc : memref<!tpu.dma_semaphore, #tpu.memory_space<semaphore_mem>>
        %dma_start3A = arith.constant 0 : i32
        %dma_start3A_65 = tpu.memref_slice %arg2[%select_n3A, %select_n3A_33, %dma_start3A] : memref<4x4x4096xi32, #tpu.memory_space<hbm>> -> memref<1x1x4096xi32, #tpu.memory_space<hbm>>
        %dma_start3A_66 = tpu.memref_squeeze %dma_start3A_65 : memref<1x1x4096xi32, #tpu.memory_space<hbm>> -> memref<4096xi32, #tpu.memory_space<hbm>>
        %dma_start3A_67 = arith.constant 0 : i32
        %dma_start3A_68 = tpu.memref_slice %arg2[%select_n3A, %select_n3A_33, %dma_start3A_67] : memref<4x4x4096xi32, #tpu.memory_space<hbm>> -> memref<1x1x4096xi32, #tpu.memory_space<hbm>>
        %dma_start3A_69 = tpu.memref_squeeze %dma_start3A_68 : memref<1x1x4096xi32, #tpu.memory_space<hbm>> -> memref<4096xi32, #tpu.memory_space<hbm>>
        tpu.enqueue_dma source(%dma_start3A_69 : memref<4096xi32, #tpu.memory_space<hbm>>) target(%arg5 : memref<4096xi32, #tpu.memory_space<vmem>>) target_semaphore(%run_scoped3A : memref<!tpu.dma_semaphore, #tpu.memory_space<semaphore_mem>>)
        %dma_wait3A = arith.constant 0 : i32
        %dma_wait3A_70 = tpu.memref_slice %arg2[%select_n3A, %select_n3A_33, %dma_wait3A] : memref<4x4x4096xi32, #tpu.memory_space<hbm>> -> memref<1x1x4096xi32, #tpu.memory_space<hbm>>
        %dma_wait3A_71 = tpu.memref_squeeze %dma_wait3A_70 : memref<1x1x4096xi32, #tpu.memory_space<hbm>> -> memref<4096xi32, #tpu.memory_space<hbm>>
        %dma_wait3A_72 = arith.constant 0 : i32
        %dma_wait3A_73 = tpu.memref_slice %arg2[%select_n3A, %select_n3A_33, %dma_wait3A_72] : memref<4x4x4096xi32, #tpu.memory_space<hbm>> -> memref<1x1x4096xi32, #tpu.memory_space<hbm>>
        %dma_wait3A_74 = tpu.memref_squeeze %dma_wait3A_73 : memref<1x1x4096xi32, #tpu.memory_space<hbm>> -> memref<4096xi32, #tpu.memory_space<hbm>>
        tpu.wait_dma2 semaphore(%run_scoped3A : memref<!tpu.dma_semaphore, #tpu.memory_space<semaphore_mem>>) src(%dma_wait3A_74 : memref<4096xi32, #tpu.memory_space<hbm>>) dst(%arg5 : memref<4096xi32, #tpu.memory_space<vmem>>)
        tpu.yield
      }) : () -> ()
      %mul3A_34 = arith.constant 64 : i32
      %mul3A_35 = arith.muli %select_n3A_33, %mul3A_34 : i32
      %iota3A = tpu.iota {dimensions = array<i32: 0>} : vector<16xi32>
      %broadcast_in_dim3A = arith.constant 0 : i32
      %broadcast_in_dim3A_36 = vector.broadcast %broadcast_in_dim3A : i32 to vector<16xi32>
      %scan3A = arith.constant 0 : i32
      %scan3A_37 = arith.constant 0 : i32
      %scan3A_38 = arith.constant 64 : i32
      %scan3A_39 = arith.addi %scan3A_37, %scan3A_38 : i32
      %scan3A_40 = arith.constant 1 : i32
      scf.for %scan3A_65 = %scan3A_37 to %scan3A_39 step %scan3A_40  : i32 {
        %mul3A_66 = arith.constant 16 : i32
        %mul3A_67 = arith.muli %scan3A_65, %mul3A_66 : i32
        %swap3A = arith.index_cast %mul3A_67 : i32 to index
        %swap3A_68 = tpu.vector_load %arg9[%swap3A] {strides = array<i32>} : memref<1024xi32, #tpu.memory_space<vmem>>, vector<16xi32>,
        tpu.vector_store %arg9[%swap3A], %broadcast_in_dim3A_36 {strides = array<i32>} : memref<1024xi32, #tpu.memory_space<vmem>>, vector<16xi32>,
      }
      %scan3A_41 = arith.constant 64 : i32
      %scan3A_42 = arith.constant 0 : i32
      %scan3A_43 = arith.constant 0 : i32
      %scan3A_44 = arith.constant 256 : i32
      %scan3A_45 = arith.addi %scan3A_43, %scan3A_44 : i32
      %scan3A_46 = arith.constant 1 : i32
      scf.for %scan3A_65 = %scan3A_43 to %scan3A_45 step %scan3A_46  : i32 {
        %mul3A_66 = arith.constant 256 : i32
        %mul3A_67 = vector.broadcast %mul3A_66 : i32 to vector<16xi32>
        %mul3A_68 = arith.muli %iota3A, %mul3A_67 : vector<16xi32>
        %add3A_69 = vector.broadcast %scan3A_65 : i32 to vector<16xi32>
        %add3A_70 = arith.addi %mul3A_68, %add3A_69 : vector<16xi32>
        %gather3A = tpu.vector_load_idx %arg5[%add3A_70] : memref<4096xi32, #tpu.memory_space<vmem>>[vector<16xi32>], vector<16xi32>,
        %sub3A_71 = vector.broadcast %mul3A_35 : i32 to vector<16xi32>
        %sub3A_72 = arith.subi %gather3A, %sub3A_71 : vector<16xi32>
        %mul3A_73 = arith.constant 16 : i32
        %mul3A_74 = vector.broadcast %mul3A_73 : i32 to vector<16xi32>
        %mul3A_75 = arith.muli %sub3A_72, %mul3A_74 : vector<16xi32>
        %add3A_76 = arith.addi %mul3A_75, %iota3A : vector<16xi32>
        %gather3A_77 = tpu.vector_load_idx %arg9[%add3A_76] : memref<1024xi32, #tpu.memory_space<vmem>>[vector<16xi32>], vector<16xi32>,
        %mul3A_78 = arith.constant 16 : i32
        %mul3A_79 = arith.muli %scan3A_65, %mul3A_78 : i32
        %swap3A = arith.index_cast %mul3A_79 : i32 to index
        %swap3A_80 = tpu.vector_load %arg6[%swap3A] {strides = array<i32>} : memref<4096xi32, #tpu.memory_space<vmem>>, vector<16xi32>,
        tpu.vector_store %arg6[%swap3A], %gather3A_77 {strides = array<i32>} : memref<4096xi32, #tpu.memory_space<vmem>>, vector<16xi32>,
        %add3A_81 = arith.constant 1 : i32
        %add3A_82 = vector.broadcast %add3A_81 : i32 to vector<16xi32>
        %add3A_83 = arith.addi %gather3A_77, %add3A_82 : vector<16xi32>
        tpu.vector_store_idx %arg9[%add3A_76], %add3A_83 : memref<1024xi32, #tpu.memory_space<vmem>>[vector<16xi32>], vector<16xi32>,
      }
      %scan3A_47 = arith.constant 256 : i32
      %scan3A_48 = arith.constant 0 : i32
      %scan3A_49 = arith.constant 0 : i32
      %scan3A_50 = arith.constant 64 : i32
      %scan3A_51 = arith.addi %scan3A_49, %scan3A_50 : i32
      %scan3A_52 = arith.constant 1 : i32
      %scan3A_53 = scf.for %scan3A_65 = %scan3A_49 to %scan3A_51 step %scan3A_52 iter_args(%scan3A_66 = %scan3A_48) -> (i32)  : i32 {
        %mul3A_67 = arith.constant 16 : i32
        %mul3A_68 = arith.muli %scan3A_65, %mul3A_67 : i32
        %get3A = arith.index_cast %mul3A_68 : i32 to index
        %get3A_69 = tpu.vector_load %arg9[%get3A] {strides = array<i32>} : memref<1024xi32, #tpu.memory_space<vmem>>, vector<16xi32>,
        %broadcast_in_dim3A_70 = arith.constant true
        %broadcast_in_dim3A_71 = vector.broadcast %broadcast_in_dim3A_70 : i1 to vector<16xi1>
        %masked_cumsum3A = tpu.scan <sum>, %get3A_69 masked %broadcast_in_dim3A_71 : vector<16xi32>, vector<16xi1> -> vector<16xi32>
        %sub3A_72 = arith.subi %masked_cumsum3A, %get3A_69 : vector<16xi32>
        %add3A_73 = vector.broadcast %scan3A_66 : i32 to vector<16xi32>
        %add3A_74 = arith.addi %sub3A_72, %add3A_73 : vector<16xi32>
        %mul3A_75 = arith.constant 16 : i32
        %mul3A_76 = arith.muli %scan3A_65, %mul3A_75 : i32
        %swap3A = arith.index_cast %mul3A_76 : i32 to index
        %swap3A_77 = tpu.vector_load %arg10[%swap3A] {strides = array<i32>} : memref<1024xi32, #tpu.memory_space<vmem>>, vector<16xi32>,
        tpu.vector_store %arg10[%swap3A], %add3A_74 {strides = array<i32>} : memref<1024xi32, #tpu.memory_space<vmem>>, vector<16xi32>,
        %reduce_sum3A = arith.constant true
        %reduce_sum3A_78 = vector.broadcast %reduce_sum3A : i1 to vector<16xi1>
        %reduce_sum3A_79 = tpu.scan <sum>, %get3A_69 masked %reduce_sum3A_78 : vector<16xi32>, vector<16xi1> -> vector<16xi32>
        %reduce_sum3A_80 = vector.extract %reduce_sum3A_79[15] : i32 from vector<16xi32>
        %add3A_81 = arith.addi %scan3A_66, %reduce_sum3A_80 : i32
        scf.yield %add3A_81 : i32
      }
      %scan3A_54 = arith.constant 64 : i32
      %scan3A_55 = arith.constant 0 : i32
      %scan3A_56 = arith.constant 0 : i32
      %scan3A_57 = arith.constant 256 : i32
      %scan3A_58 = arith.addi %scan3A_56, %scan3A_57 : i32
      %scan3A_59 = arith.constant 1 : i32
      scf.for %scan3A_65 = %scan3A_56 to %scan3A_58 step %scan3A_59  : i32 {
        %mul3A_66 = arith.constant 256 : i32
        %mul3A_67 = vector.broadcast %mul3A_66 : i32 to vector<16xi32>
        %mul3A_68 = arith.muli %iota3A, %mul3A_67 : vector<16xi32>
        %add3A_69 = vector.broadcast %scan3A_65 : i32 to vector<16xi32>
        %add3A_70 = arith.addi %mul3A_68, %add3A_69 : vector<16xi32>
        %gather3A = tpu.vector_load_idx %arg5[%add3A_70] : memref<4096xi32, #tpu.memory_space<vmem>>[vector<16xi32>], vector<16xi32>,
        %sub3A_71 = vector.broadcast %mul3A_35 : i32 to vector<16xi32>
        %sub3A_72 = arith.subi %gather3A, %sub3A_71 : vector<16xi32>
        %mul3A_73 = arith.constant 16 : i32
        %mul3A_74 = vector.broadcast %mul3A_73 : i32 to vector<16xi32>
        %mul3A_75 = arith.muli %sub3A_72, %mul3A_74 : vector<16xi32>
        %add3A_76 = arith.addi %mul3A_75, %iota3A : vector<16xi32>
        %gather3A_77 = tpu.vector_load_idx %arg10[%add3A_76] : memref<1024xi32, #tpu.memory_space<vmem>>[vector<16xi32>], vector<16xi32>,
        %mul3A_78 = arith.constant 16 : i32
        %mul3A_79 = arith.muli %scan3A_65, %mul3A_78 : i32
        %get3A = arith.index_cast %mul3A_79 : i32 to index
        %get3A_80 = tpu.vector_load %arg6[%get3A] {strides = array<i32>} : memref<4096xi32, #tpu.memory_space<vmem>>, vector<16xi32>,
        %add3A_81 = arith.addi %gather3A_77, %get3A_80 : vector<16xi32>
        tpu.vector_store_idx %arg7[%add3A_81], %add3A_70 : memref<4096xi32, #tpu.memory_space<vmem>>[vector<16xi32>], vector<16xi32>,
        %mul3A_82 = arith.constant 4096 : i32
        %mul3A_83 = arith.muli %select_n3A_33, %mul3A_82 : i32
        %add3A_84 = vector.broadcast %mul3A_83 : i32 to vector<16xi32>
        %add3A_85 = arith.addi %add3A_81, %add3A_84 : vector<16xi32>
        tpu.vector_store_idx %arg8[%add3A_70], %add3A_85 : memref<4096xi32, #tpu.memory_space<vmem>>[vector<16xi32>], vector<16xi32>,
      }
      %scan3A_60 = arith.constant 256 : i32
      %mul3A_61 = arith.constant 4096 : i32
      %mul3A_62 = arith.muli %select_n3A_33, %mul3A_61 : i32
      "tpu.region"() ({
        %run_scoped3A = tpu.sem_alloc : memref<!tpu.dma_semaphore, #tpu.memory_space<semaphore_mem>>
        %dma_start3A = tpu.memref_slice %arg3[%select_n3A, %mul3A_62] : memref<4x16384xi32, #tpu.memory_space<hbm>> -> memref<1x4096xi32, #tpu.memory_space<hbm>>
        %dma_start3A_65 = tpu.memref_squeeze %dma_start3A : memref<1x4096xi32, #tpu.memory_space<hbm>> -> memref<4096xi32, #tpu.memory_space<hbm>>
        %dma_start3A_66 = tpu.memref_slice %arg3[%select_n3A, %mul3A_62] : memref<4x16384xi32, #tpu.memory_space<hbm>> -> memref<1x4096xi32, #tpu.memory_space<hbm>>
        %dma_start3A_67 = tpu.memref_squeeze %dma_start3A_66 : memref<1x4096xi32, #tpu.memory_space<hbm>> -> memref<4096xi32, #tpu.memory_space<hbm>>
        tpu.enqueue_dma source(%arg7 : memref<4096xi32, #tpu.memory_space<vmem>>) target(%dma_start3A_67 : memref<4096xi32, #tpu.memory_space<hbm>>) target_semaphore(%run_scoped3A : memref<!tpu.dma_semaphore, #tpu.memory_space<semaphore_mem>>)
        %dma_wait3A = tpu.memref_slice %arg3[%select_n3A, %mul3A_62] : memref<4x16384xi32, #tpu.memory_space<hbm>> -> memref<1x4096xi32, #tpu.memory_space<hbm>>
        %dma_wait3A_68 = tpu.memref_squeeze %dma_wait3A : memref<1x4096xi32, #tpu.memory_space<hbm>> -> memref<4096xi32, #tpu.memory_space<hbm>>
        %dma_wait3A_69 = tpu.memref_slice %arg3[%select_n3A, %mul3A_62] : memref<4x16384xi32, #tpu.memory_space<hbm>> -> memref<1x4096xi32, #tpu.memory_space<hbm>>
        %dma_wait3A_70 = tpu.memref_squeeze %dma_wait3A_69 : memref<1x4096xi32, #tpu.memory_space<hbm>> -> memref<4096xi32, #tpu.memory_space<hbm>>
        tpu.wait_dma2 semaphore(%run_scoped3A : memref<!tpu.dma_semaphore, #tpu.memory_space<semaphore_mem>>) src(%arg7 : memref<4096xi32, #tpu.memory_space<vmem>>) dst(%dma_wait3A_70 : memref<4096xi32, #tpu.memory_space<hbm>>)
        tpu.yield
      }) : () -> ()
      %mul3A_63 = arith.constant 4096 : i32
      %mul3A_64 = arith.muli %select_n3A_33, %mul3A_63 : i32
      "tpu.region"() ({
        %run_scoped3A = tpu.sem_alloc : memref<!tpu.dma_semaphore, #tpu.memory_space<semaphore_mem>>
        %dma_start3A = tpu.memref_slice %arg4[%select_n3A, %mul3A_64] : memref<4x16384xi32, #tpu.memory_space<hbm>> -> memref<1x4096xi32, #tpu.memory_space<hbm>>
        %dma_start3A_65 = tpu.memref_squeeze %dma_start3A : memref<1x4096xi32, #tpu.memory_space<hbm>> -> memref<4096xi32, #tpu.memory_space<hbm>>
        %dma_start3A_66 = tpu.memref_slice %arg4[%select_n3A, %mul3A_64] : memref<4x16384xi32, #tpu.memory_space<hbm>> -> memref<1x4096xi32, #tpu.memory_space<hbm>>
        %dma_start3A_67 = tpu.memref_squeeze %dma_start3A_66 : memref<1x4096xi32, #tpu.memory_space<hbm>> -> memref<4096xi32, #tpu.memory_space<hbm>>
        tpu.enqueue_dma source(%arg8 : memref<4096xi32, #tpu.memory_space<vmem>>) target(%dma_start3A_67 : memref<4096xi32, #tpu.memory_space<hbm>>) target_semaphore(%run_scoped3A : memref<!tpu.dma_semaphore, #tpu.memory_space<semaphore_mem>>)
        %dma_wait3A = tpu.memref_slice %arg4[%select_n3A, %mul3A_64] : memref<4x16384xi32, #tpu.memory_space<hbm>> -> memref<1x4096xi32, #tpu.memory_space<hbm>>
        %dma_wait3A_68 = tpu.memref_squeeze %dma_wait3A : memref<1x4096xi32, #tpu.memory_space<hbm>> -> memref<4096xi32, #tpu.memory_space<hbm>>
        %dma_wait3A_69 = tpu.memref_slice %arg4[%select_n3A, %mul3A_64] : memref<4x16384xi32, #tpu.memory_space<hbm>> -> memref<1x4096xi32, #tpu.memory_space<hbm>>
        %dma_wait3A_70 = tpu.memref_squeeze %dma_wait3A_69 : memref<1x4096xi32, #tpu.memory_space<hbm>> -> memref<4096xi32, #tpu.memory_space<hbm>>
        tpu.wait_dma2 semaphore(%run_scoped3A : memref<!tpu.dma_semaphore, #tpu.memory_space<semaphore_mem>>) src(%arg8 : memref<4096xi32, #tpu.memory_space<vmem>>) dst(%dma_wait3A_70 : memref<4096xi32, #tpu.memory_space<hbm>>)
        tpu.yield
      }) : () -> ()
    } else {
    }
    return
  }
}

#map = affine_map<(d0, d1) -> (0, 0)>
#map1 = affine_map<(d0, d1) -> (0)>
module attributes {stable_mosaic.version = 14 : i64} {
  func.func @k(%arg0: i32, %arg1: i32, %arg2: memref<16384x128xf32, #tpu.memory_space<hbm>>, %arg3: memref<65536xi32, #tpu.memory_space<hbm>>, %arg4: memref<65536x128xf32, #tpu.memory_space<hbm>>, %arg5: memref<128xi32, #tpu.memory_space<vmem>>, %arg6: memref<128x128xf32, #tpu.memory_space<vmem>>, %arg7: memref<!tpu.dma_semaphore, #tpu.memory_space<semaphore_mem>>) attributes {dimension_semantics = [#tpu.dimension_semantics<core_parallel>, #tpu.dimension_semantics<subcore_parallel>], iteration_bounds = array<i64: 2, 16>, scalar_prefetch = 0 : i64, scratch_operands = 3 : i64, tpu.core_type = #tpu.core_type<sc_vector_subcore>, window_params = [{transform_indices = #map}, {transform_indices = #map1}, {transform_indices = #map}]} {
    %mul3A = arith.constant 2 : i32
    %mul3A_0 = arith.muli %arg1, %mul3A : i32
    %add3A = arith.addi %mul3A_0, %arg0 : i32
    %scan3A = arith.constant 0 : i32
    %scan3A_1 = arith.constant 0 : i32
    %scan3A_2 = arith.constant 16 : i32
    %scan3A_3 = arith.addi %scan3A_1, %scan3A_2 : i32
    %scan3A_4 = arith.constant 1 : i32
    scf.for %scan3A_6 = %scan3A_1 to %scan3A_3 step %scan3A_4  : i32 {
      %mul3A_7 = arith.constant 2048 : i32
      %mul3A_8 = arith.muli %add3A, %mul3A_7 : i32
      %mul3A_9 = arith.constant 128 : i32
      %mul3A_10 = arith.muli %scan3A_6, %mul3A_9 : i32
      %add3A_11 = arith.addi %mul3A_8, %mul3A_10 : i32
      "tpu.region"() ({
        %run_scoped3A = tpu.sem_alloc : memref<!tpu.dma_semaphore, #tpu.memory_space<semaphore_mem>>
        %dma_start3A_16 = tpu.memref_slice %arg3[%add3A_11] : memref<65536xi32, #tpu.memory_space<hbm>> -> memref<128xi32, #tpu.memory_space<hbm>>
        %dma_start3A_17 = tpu.memref_slice %arg3[%add3A_11] : memref<65536xi32, #tpu.memory_space<hbm>> -> memref<128xi32, #tpu.memory_space<hbm>>
        tpu.enqueue_dma source(%dma_start3A_17 : memref<128xi32, #tpu.memory_space<hbm>>) target(%arg5 : memref<128xi32, #tpu.memory_space<vmem>>) target_semaphore(%run_scoped3A : memref<!tpu.dma_semaphore, #tpu.memory_space<semaphore_mem>>)
        %dma_wait3A_18 = tpu.memref_slice %arg3[%add3A_11] : memref<65536xi32, #tpu.memory_space<hbm>> -> memref<128xi32, #tpu.memory_space<hbm>>
        %dma_wait3A_19 = tpu.memref_slice %arg3[%add3A_11] : memref<65536xi32, #tpu.memory_space<hbm>> -> memref<128xi32, #tpu.memory_space<hbm>>
        tpu.wait_dma2 semaphore(%run_scoped3A : memref<!tpu.dma_semaphore, #tpu.memory_space<semaphore_mem>>) src(%dma_wait3A_19 : memref<128xi32, #tpu.memory_space<hbm>>) dst(%arg5 : memref<128xi32, #tpu.memory_space<vmem>>)
        tpu.yield
      }) : () -> ()
      %dma_start3A = arith.constant 0 : i32
      %dma_start3A_12 = arith.constant 0 : i32
      %dma_start3A_13 = tpu.memref_slice %arg2[%dma_start3A, %dma_start3A_12] : memref<16384x128xf32, #tpu.memory_space<hbm>> -> memref<16384x128xf32, #tpu.memory_space<hbm>>
      tpu.enqueue_indirect_dma source(%dma_start3A_13 : memref<16384x128xf32, #tpu.memory_space<hbm>>) target(%arg6 : memref<128x128xf32, #tpu.memory_space<vmem>>) offsets(%arg5 : memref<128xi32, #tpu.memory_space<vmem>>) semaphore(%arg7 : memref<!tpu.dma_semaphore, #tpu.memory_space<semaphore_mem>>)
      %dma_wait3A = arith.constant 0 : i32
      %dma_wait3A_14 = arith.constant 0 : i32
      %dma_wait3A_15 = tpu.memref_slice %arg2[%dma_wait3A, %dma_wait3A_14] : memref<16384x128xf32, #tpu.memory_space<hbm>> -> memref<16384x128xf32, #tpu.memory_space<hbm>>
      tpu.wait_indirect_dma semaphore(%arg7 : memref<!tpu.dma_semaphore, #tpu.memory_space<semaphore_mem>>) src(%dma_wait3A_15 : memref<16384x128xf32, #tpu.memory_space<hbm>>) dst(%arg6 : memref<128x128xf32, #tpu.memory_space<vmem>>)
      "tpu.region"() ({
        %run_scoped3A = tpu.sem_alloc : memref<!tpu.dma_semaphore, #tpu.memory_space<semaphore_mem>>
        %dma_start3A_16 = arith.constant 0 : i32
        %dma_start3A_17 = tpu.memref_slice %arg4[%add3A_11, %dma_start3A_16] : memref<65536x128xf32, #tpu.memory_space<hbm>> -> memref<128x128xf32, #tpu.memory_space<hbm>>
        %dma_start3A_18 = arith.constant 0 : i32
        %dma_start3A_19 = tpu.memref_slice %arg4[%add3A_11, %dma_start3A_18] : memref<65536x128xf32, #tpu.memory_space<hbm>> -> memref<128x128xf32, #tpu.memory_space<hbm>>
        tpu.enqueue_dma source(%arg6 : memref<128x128xf32, #tpu.memory_space<vmem>>) target(%dma_start3A_19 : memref<128x128xf32, #tpu.memory_space<hbm>>) target_semaphore(%run_scoped3A : memref<!tpu.dma_semaphore, #tpu.memory_space<semaphore_mem>>)
        %dma_wait3A_20 = arith.constant 0 : i32
        %dma_wait3A_21 = tpu.memref_slice %arg4[%add3A_11, %dma_wait3A_20] : memref<65536x128xf32, #tpu.memory_space<hbm>> -> memref<128x128xf32, #tpu.memory_space<hbm>>
        %dma_wait3A_22 = arith.constant 0 : i32
        %dma_wait3A_23 = tpu.memref_slice %arg4[%add3A_11, %dma_wait3A_22] : memref<65536x128xf32, #tpu.memory_space<hbm>> -> memref<128x128xf32, #tpu.memory_space<hbm>>
        tpu.wait_dma2 semaphore(%run_scoped3A : memref<!tpu.dma_semaphore, #tpu.memory_space<semaphore_mem>>) src(%arg6 : memref<128x128xf32, #tpu.memory_space<vmem>>) dst(%dma_wait3A_23 : memref<128x128xf32, #tpu.memory_space<hbm>>)
        tpu.yield
      }) : () -> ()
    }
    %scan3A_5 = arith.constant 16 : i32
    return
  }
}

#map = affine_map<(d0, d1) -> (0, 0)>
#map1 = affine_map<(d0, d1) -> (0)>
module attributes {stable_mosaic.version = 14 : i64} {
  func.func @k(%arg0: i32, %arg1: i32, %arg2: memref<65536x128xf32, #tpu.memory_space<hbm>>, %arg3: memref<65536xi32, #tpu.memory_space<hbm>>, %arg4: memref<65536x128xf32, #tpu.memory_space<hbm>>, %arg5: memref<128xi32, #tpu.memory_space<vmem>>, %arg6: memref<128x128xf32, #tpu.memory_space<vmem>>, %arg7: memref<!tpu.dma_semaphore, #tpu.memory_space<semaphore_mem>>) attributes {dimension_semantics = [#tpu.dimension_semantics<core_parallel>, #tpu.dimension_semantics<subcore_parallel>], iteration_bounds = array<i64: 2, 16>, scalar_prefetch = 0 : i64, scratch_operands = 3 : i64, tpu.core_type = #tpu.core_type<sc_vector_subcore>, window_params = [{transform_indices = #map}, {transform_indices = #map1}, {transform_indices = #map}]} {
    %mul3A = arith.constant 2 : i32
    %mul3A_0 = arith.muli %arg1, %mul3A : i32
    %add3A = arith.addi %mul3A_0, %arg0 : i32
    %scan3A = arith.constant 0 : i32
    %scan3A_1 = arith.constant 0 : i32
    %scan3A_2 = arith.constant 16 : i32
    %scan3A_3 = arith.addi %scan3A_1, %scan3A_2 : i32
    %scan3A_4 = arith.constant 1 : i32
    scf.for %scan3A_6 = %scan3A_1 to %scan3A_3 step %scan3A_4  : i32 {
      %mul3A_7 = arith.constant 2048 : i32
      %mul3A_8 = arith.muli %add3A, %mul3A_7 : i32
      %mul3A_9 = arith.constant 128 : i32
      %mul3A_10 = arith.muli %scan3A_6, %mul3A_9 : i32
      %add3A_11 = arith.addi %mul3A_8, %mul3A_10 : i32
      "tpu.region"() ({
        %run_scoped3A = tpu.sem_alloc : memref<!tpu.dma_semaphore, #tpu.memory_space<semaphore_mem>>
        %dma_start3A_16 = tpu.memref_slice %arg3[%add3A_11] : memref<65536xi32, #tpu.memory_space<hbm>> -> memref<128xi32, #tpu.memory_space<hbm>>
        %dma_start3A_17 = tpu.memref_slice %arg3[%add3A_11] : memref<65536xi32, #tpu.memory_space<hbm>> -> memref<128xi32, #tpu.memory_space<hbm>>
        tpu.enqueue_dma source(%dma_start3A_17 : memref<128xi32, #tpu.memory_space<hbm>>) target(%arg5 : memref<128xi32, #tpu.memory_space<vmem>>) target_semaphore(%run_scoped3A : memref<!tpu.dma_semaphore, #tpu.memory_space<semaphore_mem>>)
        %dma_wait3A_18 = tpu.memref_slice %arg3[%add3A_11] : memref<65536xi32, #tpu.memory_space<hbm>> -> memref<128xi32, #tpu.memory_space<hbm>>
        %dma_wait3A_19 = tpu.memref_slice %arg3[%add3A_11] : memref<65536xi32, #tpu.memory_space<hbm>> -> memref<128xi32, #tpu.memory_space<hbm>>
        tpu.wait_dma2 semaphore(%run_scoped3A : memref<!tpu.dma_semaphore, #tpu.memory_space<semaphore_mem>>) src(%dma_wait3A_19 : memref<128xi32, #tpu.memory_space<hbm>>) dst(%arg5 : memref<128xi32, #tpu.memory_space<vmem>>)
        tpu.yield
      }) : () -> ()
      %dma_start3A = arith.constant 0 : i32
      %dma_start3A_12 = arith.constant 0 : i32
      %dma_start3A_13 = tpu.memref_slice %arg2[%dma_start3A, %dma_start3A_12] : memref<65536x128xf32, #tpu.memory_space<hbm>> -> memref<65536x128xf32, #tpu.memory_space<hbm>>
      tpu.enqueue_indirect_dma source(%dma_start3A_13 : memref<65536x128xf32, #tpu.memory_space<hbm>>) target(%arg6 : memref<128x128xf32, #tpu.memory_space<vmem>>) offsets(%arg5 : memref<128xi32, #tpu.memory_space<vmem>>) semaphore(%arg7 : memref<!tpu.dma_semaphore, #tpu.memory_space<semaphore_mem>>)
      %dma_wait3A = arith.constant 0 : i32
      %dma_wait3A_14 = arith.constant 0 : i32
      %dma_wait3A_15 = tpu.memref_slice %arg2[%dma_wait3A, %dma_wait3A_14] : memref<65536x128xf32, #tpu.memory_space<hbm>> -> memref<65536x128xf32, #tpu.memory_space<hbm>>
      tpu.wait_indirect_dma semaphore(%arg7 : memref<!tpu.dma_semaphore, #tpu.memory_space<semaphore_mem>>) src(%dma_wait3A_15 : memref<65536x128xf32, #tpu.memory_space<hbm>>) dst(%arg6 : memref<128x128xf32, #tpu.memory_space<vmem>>)
      "tpu.region"() ({
        %run_scoped3A = tpu.sem_alloc : memref<!tpu.dma_semaphore, #tpu.memory_space<semaphore_mem>>
        %dma_start3A_16 = arith.constant 0 : i32
        %dma_start3A_17 = tpu.memref_slice %arg4[%add3A_11, %dma_start3A_16] : memref<65536x128xf32, #tpu.memory_space<hbm>> -> memref<128x128xf32, #tpu.memory_space<hbm>>
        %dma_start3A_18 = arith.constant 0 : i32
        %dma_start3A_19 = tpu.memref_slice %arg4[%add3A_11, %dma_start3A_18] : memref<65536x128xf32, #tpu.memory_space<hbm>> -> memref<128x128xf32, #tpu.memory_space<hbm>>
        tpu.enqueue_dma source(%arg6 : memref<128x128xf32, #tpu.memory_space<vmem>>) target(%dma_start3A_19 : memref<128x128xf32, #tpu.memory_space<hbm>>) target_semaphore(%run_scoped3A : memref<!tpu.dma_semaphore, #tpu.memory_space<semaphore_mem>>)
        %dma_wait3A_20 = arith.constant 0 : i32
        %dma_wait3A_21 = tpu.memref_slice %arg4[%add3A_11, %dma_wait3A_20] : memref<65536x128xf32, #tpu.memory_space<hbm>> -> memref<128x128xf32, #tpu.memory_space<hbm>>
        %dma_wait3A_22 = arith.constant 0 : i32
        %dma_wait3A_23 = tpu.memref_slice %arg4[%add3A_11, %dma_wait3A_22] : memref<65536x128xf32, #tpu.memory_space<hbm>> -> memref<128x128xf32, #tpu.memory_space<hbm>>
        tpu.wait_dma2 semaphore(%run_scoped3A : memref<!tpu.dma_semaphore, #tpu.memory_space<semaphore_mem>>) src(%arg6 : memref<128x128xf32, #tpu.memory_space<vmem>>) dst(%dma_wait3A_23 : memref<128x128xf32, #tpu.memory_space<hbm>>)
        tpu.yield
      }) : () -> ()
    }
    %scan3A_5 = arith.constant 16 : i32
    return
  }
}

module attributes {stable_mosaic.version = 14 : i64} {
  func.func @_hash_body(%arg0: i32, %arg1: memref<1x4096x64xf32, #tpu.memory_space<vmem>>, %arg2: memref<1x4096x64xf32, #tpu.memory_space<vmem>>, %arg3: memref<64x128xf32, #tpu.memory_space<vmem>>, %arg4: memref<1x4x4096xi32, #tpu.memory_space<vmem>>, %arg5: memref<1x4096x128xf32, #tpu.memory_space<vmem>>) attributes {dimension_semantics = [#tpu.dimension_semantics<arbitrary>], iteration_bounds = array<i64: 4>, scalar_prefetch = 0 : i64, scratch_operands = 0 : i64, tpu.core_type = #tpu.core_type<tc>, window_params = [{transform_indices = @transform_0, window_bounds = array<i64: 1, 4096, 64>}, {transform_indices = @transform_1, window_bounds = array<i64: 1, 4096, 64>}, {pipeline_mode = #tpu.pipeline_mode<synchronous>, transform_indices = @transform_2, window_bounds = array<i64: 64, 128>}, {transform_indices = @transform_3, window_bounds = array<i64: 1, 4, 4096>}, {transform_indices = @transform_4, window_bounds = array<i64: 1, 4096, 128>}]} {
    %get3A = arith.constant 0 : index
    %get3A_0 = arith.constant 0 : index
    %get3A_1 = arith.constant 0 : index
    %get3A_2 = vector.load %arg1[%get3A, %get3A_0, %get3A_1] : memref<1x4096x64xf32, #tpu.memory_space<vmem>>, vector<1x4096x64xf32>
    %get3A_3 = vector.shape_cast %get3A_2 : vector<1x4096x64xf32> to vector<4096x64xf32>
    %get3A_4 = arith.constant 0 : index
    %get3A_5 = arith.constant 0 : index
    %get3A_6 = arith.constant 0 : index
    %get3A_7 = vector.load %arg2[%get3A_4, %get3A_5, %get3A_6] : memref<1x4096x64xf32, #tpu.memory_space<vmem>>, vector<1x4096x64xf32>
    %get3A_8 = vector.shape_cast %get3A_7 : vector<1x4096x64xf32> to vector<4096x64xf32>
    %concatenate3A = tpu.concatenate %get3A_3, %get3A_8 in 1 : vector<4096x64xf32>, vector<4096x64xf32> -> vector<4096x128xf32>
    %swap3A = arith.constant 0 : index
    %swap3A_9 = arith.constant 0 : index
    %swap3A_10 = arith.constant 0 : index
    %swap3A_11 = vector.load %arg5[%swap3A, %swap3A_9, %swap3A_10] : memref<1x4096x128xf32, #tpu.memory_space<vmem>>, vector<1x4096x128xf32>
    %swap3A_12 = vector.shape_cast %swap3A_11 : vector<1x4096x128xf32> to vector<4096x128xf32>
    %swap3A_13 = vector.shape_cast %concatenate3A : vector<4096x128xf32> to vector<1x4096x128xf32>
    tpu.vector_store %arg5[%swap3A, %swap3A_9, %swap3A_10], %swap3A_13 {strides = array<i32>} : memref<1x4096x128xf32, #tpu.memory_space<vmem>>, vector<1x4096x128xf32>,
    %get3A_14 = arith.constant 0 : index
    %get3A_15 = arith.constant 0 : index
    %get3A_16 = vector.load %arg3[%get3A_14, %get3A_15] : memref<64x128xf32, #tpu.memory_space<vmem>>, vector<64x128xf32>
    %dot_general3A = arith.constant dense<0.000000e+00> : vector<4096x128xf32>
    %dot_general3A_17 = tpu.matmul %get3A_3, %get3A_16, %dot_general3A {dimension_numbers = #tpu.dot_dimension_numbers<[1], [0], [0], [1], [0, 0, 1, 1], [], []>, transpose_lhs_hint = false} : vector<4096x64xf32>, vector<64x128xf32>, vector<4096x128xf32> -> vector<4096x128xf32>
    %iota3A = tpu.iota {dimensions = array<i32: 1>} : vector<4096x64xi32>
    %slice3A = vector.extract_strided_slice %dot_general3A_17 {offsets = [0, 0], sizes = [4096, 32], strides = [1, 1]} : vector<4096x128xf32> to vector<4096x32xf32>
    %neg3A = arith.constant 0.000000e+00 : f32
    %neg3A_18 = vector.broadcast %neg3A : f32 to vector<4096x32xf32>
    %neg3A_19 = arith.subf %neg3A_18, %slice3A : vector<4096x32xf32>
    %concatenate3A_20 = tpu.concatenate %slice3A, %neg3A_19 in 1 : vector<4096x32xf32>, vector<4096x32xf32> -> vector<4096x64xf32>
    %reduce_max3A = arith.constant dense<0xFF800000> : vector<4096xf32>
    %reduce_max3A_21 = vector.multi_reduction <maximumf>, %concatenate3A_20, %reduce_max3A [1] : vector<4096x64xf32> to vector<4096xf32>
    %broadcast_in_dim3A = vector.shape_cast %reduce_max3A_21 : vector<4096xf32> to vector<4096x1xf32>
    %eq3A = vector.broadcast %broadcast_in_dim3A : vector<4096x1xf32> to vector<4096x64xf32>
    %eq3A_22 = arith.cmpf oeq, %concatenate3A_20, %eq3A : vector<4096x64xf32>
    %jit3A = arith.constant 1073741824 : i32
    %broadcast_in_dim3A_23 = vector.broadcast %jit3A : i32 to vector<4096x64xi32>
    %select_n3A = arith.select %eq3A_22, %iota3A, %broadcast_in_dim3A_23 : vector<4096x64xi1>, vector<4096x64xi32>
    %reduce_min3A = arith.constant dense<2147483647> : vector<4096xi32>
    %reduce_min3A_24 = vector.multi_reduction <minsi>, %select_n3A, %reduce_min3A [1] : vector<4096x64xi32> to vector<4096xi32>
    %add3A = arith.constant 0 : i32
    %add3A_25 = vector.broadcast %add3A : i32 to vector<4096xi32>
    %add3A_26 = arith.addi %reduce_min3A_24, %add3A_25 : vector<4096xi32>
    %swap3A_27 = arith.constant 0 : index
    %swap3A_28 = arith.constant 0 : index
    %swap3A_29 = arith.constant 0 : index
    %swap3A_30 = vector.load %arg4[%swap3A_27, %swap3A_28, %swap3A_29] : memref<1x4x4096xi32, #tpu.memory_space<vmem>>, vector<1x1x4096xi32>
    %swap3A_31 = vector.shape_cast %swap3A_30 : vector<1x1x4096xi32> to vector<4096xi32>
    %swap3A_32 = vector.shape_cast %add3A_26 : vector<4096xi32> to vector<1x1x4096xi32>
    tpu.vector_store %arg4[%swap3A_27, %swap3A_28, %swap3A_29], %swap3A_32 {strides = array<i32>} : memref<1x4x4096xi32, #tpu.memory_space<vmem>>, vector<1x1x4096xi32>,
    %slice3A_33 = vector.extract_strided_slice %dot_general3A_17 {offsets = [0, 32], sizes = [4096, 32], strides = [1, 1]} : vector<4096x128xf32> to vector<4096x32xf32>
    %neg3A_34 = arith.constant 0.000000e+00 : f32
    %neg3A_35 = vector.broadcast %neg3A_34 : f32 to vector<4096x32xf32>
    %neg3A_36 = arith.subf %neg3A_35, %slice3A_33 : vector<4096x32xf32>
    %concatenate3A_37 = tpu.concatenate %slice3A_33, %neg3A_36 in 1 : vector<4096x32xf32>, vector<4096x32xf32> -> vector<4096x64xf32>
    %reduce_max3A_38 = arith.constant dense<0xFF800000> : vector<4096xf32>
    %reduce_max3A_39 = vector.multi_reduction <maximumf>, %concatenate3A_37, %reduce_max3A_38 [1] : vector<4096x64xf32> to vector<4096xf32>
    %broadcast_in_dim3A_40 = vector.shape_cast %reduce_max3A_39 : vector<4096xf32> to vector<4096x1xf32>
    %eq3A_41 = vector.broadcast %broadcast_in_dim3A_40 : vector<4096x1xf32> to vector<4096x64xf32>
    %eq3A_42 = arith.cmpf oeq, %concatenate3A_37, %eq3A_41 : vector<4096x64xf32>
    %jit3A_43 = arith.constant 1073741824 : i32
    %broadcast_in_dim3A_44 = vector.broadcast %jit3A_43 : i32 to vector<4096x64xi32>
    %select_n3A_45 = arith.select %eq3A_42, %iota3A, %broadcast_in_dim3A_44 : vector<4096x64xi1>, vector<4096x64xi32>
    %reduce_min3A_46 = arith.constant dense<2147483647> : vector<4096xi32>
    %reduce_min3A_47 = vector.multi_reduction <minsi>, %select_n3A_45, %reduce_min3A_46 [1] : vector<4096x64xi32> to vector<4096xi32>
    %add3A_48 = arith.constant 64 : i32
    %add3A_49 = vector.broadcast %add3A_48 : i32 to vector<4096xi32>
    %add3A_50 = arith.addi %reduce_min3A_47, %add3A_49 : vector<4096xi32>
    %swap3A_51 = arith.constant 0 : index
    %swap3A_52 = arith.constant 1 : index
    %swap3A_53 = arith.constant 0 : index
    %swap3A_54 = vector.load %arg4[%swap3A_51, %swap3A_52, %swap3A_53] : memref<1x4x4096xi32, #tpu.memory_space<vmem>>, vector<1x1x4096xi32>
    %swap3A_55 = vector.shape_cast %swap3A_54 : vector<1x1x4096xi32> to vector<4096xi32>
    %swap3A_56 = vector.shape_cast %add3A_50 : vector<4096xi32> to vector<1x1x4096xi32>
    tpu.vector_store %arg4[%swap3A_51, %swap3A_52, %swap3A_53], %swap3A_56 {strides = array<i32>} : memref<1x4x4096xi32, #tpu.memory_space<vmem>>, vector<1x1x4096xi32>,
    %slice3A_57 = vector.extract_strided_slice %dot_general3A_17 {offsets = [0, 64], sizes = [4096, 32], strides = [1, 1]} : vector<4096x128xf32> to vector<4096x32xf32>
    %neg3A_58 = arith.constant 0.000000e+00 : f32
    %neg3A_59 = vector.broadcast %neg3A_58 : f32 to vector<4096x32xf32>
    %neg3A_60 = arith.subf %neg3A_59, %slice3A_57 : vector<4096x32xf32>
    %concatenate3A_61 = tpu.concatenate %slice3A_57, %neg3A_60 in 1 : vector<4096x32xf32>, vector<4096x32xf32> -> vector<4096x64xf32>
    %reduce_max3A_62 = arith.constant dense<0xFF800000> : vector<4096xf32>
    %reduce_max3A_63 = vector.multi_reduction <maximumf>, %concatenate3A_61, %reduce_max3A_62 [1] : vector<4096x64xf32> to vector<4096xf32>
    %broadcast_in_dim3A_64 = vector.shape_cast %reduce_max3A_63 : vector<4096xf32> to vector<4096x1xf32>
    %eq3A_65 = vector.broadcast %broadcast_in_dim3A_64 : vector<4096x1xf32> to vector<4096x64xf32>
    %eq3A_66 = arith.cmpf oeq, %concatenate3A_61, %eq3A_65 : vector<4096x64xf32>
    %jit3A_67 = arith.constant 1073741824 : i32
    %broadcast_in_dim3A_68 = vector.broadcast %jit3A_67 : i32 to vector<4096x64xi32>
    %select_n3A_69 = arith.select %eq3A_66, %iota3A, %broadcast_in_dim3A_68 : vector<4096x64xi1>, vector<4096x64xi32>
    %reduce_min3A_70 = arith.constant dense<2147483647> : vector<4096xi32>
    %reduce_min3A_71 = vector.multi_reduction <minsi>, %select_n3A_69, %reduce_min3A_70 [1] : vector<4096x64xi32> to vector<4096xi32>
    %add3A_72 = arith.constant 128 : i32
    %add3A_73 = vector.broadcast %add3A_72 : i32 to vector<4096xi32>
    %add3A_74 = arith.addi %reduce_min3A_71, %add3A_73 : vector<4096xi32>
    %swap3A_75 = arith.constant 0 : index
    %swap3A_76 = arith.constant 2 : index
    %swap3A_77 = arith.constant 0 : index
    %swap3A_78 = vector.load %arg4[%swap3A_75, %swap3A_76, %swap3A_77] : memref<1x4x4096xi32, #tpu.memory_space<vmem>>, vector<1x1x4096xi32>
    %swap3A_79 = vector.shape_cast %swap3A_78 : vector<1x1x4096xi32> to vector<4096xi32>
    %swap3A_80 = vector.shape_cast %add3A_74 : vector<4096xi32> to vector<1x1x4096xi32>
    tpu.vector_store %arg4[%swap3A_75, %swap3A_76, %swap3A_77], %swap3A_80 {strides = array<i32>} : memref<1x4x4096xi32, #tpu.memory_space<vmem>>, vector<1x1x4096xi32>,
    %slice3A_81 = vector.extract_strided_slice %dot_general3A_17 {offsets = [0, 96], sizes = [4096, 32], strides = [1, 1]} : vector<4096x128xf32> to vector<4096x32xf32>
    %neg3A_82 = arith.constant 0.000000e+00 : f32
    %neg3A_83 = vector.broadcast %neg3A_82 : f32 to vector<4096x32xf32>
    %neg3A_84 = arith.subf %neg3A_83, %slice3A_81 : vector<4096x32xf32>
    %concatenate3A_85 = tpu.concatenate %slice3A_81, %neg3A_84 in 1 : vector<4096x32xf32>, vector<4096x32xf32> -> vector<4096x64xf32>
    %reduce_max3A_86 = arith.constant dense<0xFF800000> : vector<4096xf32>
    %reduce_max3A_87 = vector.multi_reduction <maximumf>, %concatenate3A_85, %reduce_max3A_86 [1] : vector<4096x64xf32> to vector<4096xf32>
    %broadcast_in_dim3A_88 = vector.shape_cast %reduce_max3A_87 : vector<4096xf32> to vector<4096x1xf32>
    %eq3A_89 = vector.broadcast %broadcast_in_dim3A_88 : vector<4096x1xf32> to vector<4096x64xf32>
    %eq3A_90 = arith.cmpf oeq, %concatenate3A_85, %eq3A_89 : vector<4096x64xf32>
    %jit3A_91 = arith.constant 1073741824 : i32
    %broadcast_in_dim3A_92 = vector.broadcast %jit3A_91 : i32 to vector<4096x64xi32>
    %select_n3A_93 = arith.select %eq3A_90, %iota3A, %broadcast_in_dim3A_92 : vector<4096x64xi1>, vector<4096x64xi32>
    %reduce_min3A_94 = arith.constant dense<2147483647> : vector<4096xi32>
    %reduce_min3A_95 = vector.multi_reduction <minsi>, %select_n3A_93, %reduce_min3A_94 [1] : vector<4096x64xi32> to vector<4096xi32>
    %add3A_96 = arith.constant 192 : i32
    %add3A_97 = vector.broadcast %add3A_96 : i32 to vector<4096xi32>
    %add3A_98 = arith.addi %reduce_min3A_95, %add3A_97 : vector<4096xi32>
    %swap3A_99 = arith.constant 0 : index
    %swap3A_100 = arith.constant 3 : index
    %swap3A_101 = arith.constant 0 : index
    %swap3A_102 = vector.load %arg4[%swap3A_99, %swap3A_100, %swap3A_101] : memref<1x4x4096xi32, #tpu.memory_space<vmem>>, vector<1x1x4096xi32>
    %swap3A_103 = vector.shape_cast %swap3A_102 : vector<1x1x4096xi32> to vector<4096xi32>
    %swap3A_104 = vector.shape_cast %add3A_98 : vector<4096xi32> to vector<1x1x4096xi32>
    tpu.vector_store %arg4[%swap3A_99, %swap3A_100, %swap3A_101], %swap3A_104 {strides = array<i32>} : memref<1x4x4096xi32, #tpu.memory_space<vmem>>, vector<1x1x4096xi32>,
    return
  }
  func.func @transform_0(%arg0: i32) -> (i32, i32, i32) {
    %c0_i32 = arith.constant 0 : i32
    %c0_i32_0 = arith.constant 0 : i32
    %c0_i32_1 = arith.constant 0 : i32
    return %arg0, %c0_i32, %c0_i32_0 : i32, i32, i32
  }
  func.func @transform_1(%arg0: i32) -> (i32, i32, i32) {
    %c0_i32 = arith.constant 0 : i32
    %c0_i32_0 = arith.constant 0 : i32
    %c0_i32_1 = arith.constant 0 : i32
    return %arg0, %c0_i32, %c0_i32_0 : i32, i32, i32
  }
  func.func @transform_2(%arg0: i32) -> (i32, i32) {
    %c0_i32 = arith.constant 0 : i32
    %c0_i32_0 = arith.constant 0 : i32
    %c0_i32_1 = arith.constant 0 : i32
    return %c0_i32, %c0_i32_0 : i32, i32
  }
  func.func @transform_3(%arg0: i32) -> (i32, i32, i32) {
    %c0_i32 = arith.constant 0 : i32
    %c0_i32_0 = arith.constant 0 : i32
    %c0_i32_1 = arith.constant 0 : i32
    return %arg0, %c0_i32, %c0_i32_0 : i32, i32, i32
  }
  func.func @transform_4(%arg0: i32) -> (i32, i32, i32) {
    %c0_i32 = arith.constant 0 : i32
    %c0_i32_0 = arith.constant 0 : i32
    %c0_i32_1 = arith.constant 0 : i32
    return %arg0, %c0_i32, %c0_i32_0 : i32, i32, i32
  }
}

module attributes {stable_mosaic.version = 14 : i64} {
  func.func @_attn_body(%arg0: i32, %arg1: i32, %arg2: memref<1x16x64x128xf32, #tpu.memory_space<vmem>>, %arg3: memref<1x1x64x128xf32, #tpu.memory_space<vmem>>, %arg4: memref<1x16x1x64xi32, #tpu.memory_space<vmem>>, %arg5: memref<1x1x1x64xi32, #tpu.memory_space<vmem>>, %arg6: memref<1x16x64x128xf32, #tpu.memory_space<vmem>>) attributes {dimension_semantics = [#tpu.dimension_semantics<arbitrary>, #tpu.dimension_semantics<arbitrary>], iteration_bounds = array<i64: 4, 16>, scalar_prefetch = 0 : i64, scratch_operands = 0 : i64, tpu.core_type = #tpu.core_type<tc>, window_params = [{transform_indices = @transform_0, window_bounds = array<i64: 1, 16, 64, 128>}, {transform_indices = @transform_1, window_bounds = array<i64: 1, 1, 64, 128>}, {transform_indices = @transform_2, window_bounds = array<i64: 1, 16, 1, 64>}, {transform_indices = @transform_3, window_bounds = array<i64: 1, 1, 1, 64>}, {transform_indices = @transform_4, window_bounds = array<i64: 1, 16, 64, 128>}]} {
    %get3A = arith.constant 0 : index
    %get3A_0 = arith.constant 0 : index
    %get3A_1 = arith.constant 0 : index
    %get3A_2 = arith.constant 0 : index
    %get3A_3 = vector.load %arg2[%get3A, %get3A_0, %get3A_1, %get3A_2] : memref<1x16x64x128xf32, #tpu.memory_space<vmem>>, vector<1x16x64x128xf32>
    %get3A_4 = vector.shape_cast %get3A_3 : vector<1x16x64x128xf32> to vector<16x64x128xf32>
    %reshape3A = vector.shape_cast %get3A_4 : vector<16x64x128xf32> to vector<1024x128xf32>
    %slice3A = vector.extract_strided_slice %reshape3A {offsets = [0, 0], sizes = [1024, 64], strides = [1, 1]} : vector<1024x128xf32> to vector<1024x64xf32>
    %get3A_5 = arith.constant 0 : index
    %get3A_6 = arith.constant 0 : index
    %get3A_7 = arith.constant 0 : index
    %get3A_8 = arith.constant 0 : index
    %get3A_9 = vector.load %arg3[%get3A_5, %get3A_6, %get3A_7, %get3A_8] : memref<1x1x64x128xf32, #tpu.memory_space<vmem>>, vector<1x1x64x128xf32>
    %get3A_10 = vector.shape_cast %get3A_9 : vector<1x1x64x128xf32> to vector<64x128xf32>
    %concatenate3A = tpu.concatenate %get3A_10, %reshape3A in 0 : vector<64x128xf32>, vector<1024x128xf32> -> vector<1088x128xf32>
    %slice3A_11 = vector.extract_strided_slice %concatenate3A {offsets = [0, 0], sizes = [1088, 64], strides = [1, 1]} : vector<1088x128xf32> to vector<1088x64xf32>
    %slice3A_12 = vector.extract_strided_slice %concatenate3A {offsets = [0, 64], sizes = [1088, 64], strides = [1, 1]} : vector<1088x128xf32> to vector<1088x64xf32>
    %mul3A = arith.mulf %slice3A_11, %slice3A_11 : vector<1088x64xf32>
    %reduce_sum3A = arith.constant dense<0.000000e+00> : vector<1088xf32>
    %reduce_sum3A_13 = vector.multi_reduction <add>, %mul3A, %reduce_sum3A [1] : vector<1088x64xf32> to vector<1088xf32>
    %broadcast_in_dim3A = vector.shape_cast %reduce_sum3A_13 : vector<1088xf32> to vector<1088x1xf32>
    %sqrt3A = math.sqrt %broadcast_in_dim3A : vector<1088x1xf32>
    %max3A = arith.constant 9.99999996E-13 : f32
    %max3A_14 = vector.broadcast %max3A : f32 to vector<1088x1xf32>
    %max3A_15 = arith.maximumf %sqrt3A, %max3A_14 : vector<1088x1xf32>
    %div3A = vector.broadcast %max3A_15 : vector<1088x1xf32> to vector<1088x64xf32>
    %div3A_16 = arith.divf %slice3A_11, %div3A : vector<1088x64xf32>
    %slice3A_17 = vector.extract_strided_slice %slice3A {offsets = [0, 0], sizes = [64, 64], strides = [1, 1]} : vector<1024x64xf32> to vector<64x64xf32>
    %slice3A_18 = vector.extract_strided_slice %div3A_16 {offsets = [0, 0], sizes = [128, 64], strides = [1, 1]} : vector<1088x64xf32> to vector<128x64xf32>
    %dot_general3A = arith.constant dense<0.000000e+00> : vector<64x128xf32>
    %dot_general3A_19 = tpu.matmul %slice3A_17, %slice3A_18, %dot_general3A {dimension_numbers = #tpu.dot_dimension_numbers<[1], [1], [0], [0], [0, 0, 1, 0], [], []>, transpose_lhs_hint = false} : vector<64x64xf32>, vector<128x64xf32>, vector<64x128xf32> -> vector<64x128xf32>
    %mul3A_20 = arith.constant 1.250000e-01 : f32
    %mul3A_21 = vector.broadcast %mul3A_20 : f32 to vector<64x128xf32>
    %mul3A_22 = arith.mulf %dot_general3A_19, %mul3A_21 : vector<64x128xf32>
    %get3A_23 = arith.constant 0 : index
    %get3A_24 = arith.constant 0 : index
    %get3A_25 = arith.constant 0 : index
    %get3A_26 = arith.constant 0 : index
    %get3A_27 = vector.load %arg4[%get3A_23, %get3A_24, %get3A_25, %get3A_26] : memref<1x16x1x64xi32, #tpu.memory_space<vmem>>, vector<1x1x1x64xi32>
    %get3A_28 = vector.shape_cast %get3A_27 : vector<1x1x1x64xi32> to vector<64xi32>
    %get3A_29 = arith.constant 0 : index
    %get3A_30 = arith.constant 0 : index
    %get3A_31 = arith.constant 0 : index
    %get3A_32 = arith.constant 0 : index
    %get3A_33 = vector.load %arg5[%get3A_29, %get3A_30, %get3A_31, %get3A_32] : memref<1x1x1x64xi32, #tpu.memory_space<vmem>>, vector<1x1x1x64xi32>
    %get3A_34 = vector.shape_cast %get3A_33 : vector<1x1x1x64xi32> to vector<64xi32>
    %concatenate3A_35 = tpu.concatenate %get3A_34, %get3A_28 in 0 : vector<64xi32>, vector<64xi32> -> vector<128xi32>
    %broadcast_in_dim3A_36 = vector.shape_cast %get3A_28 : vector<64xi32> to vector<64x1xi32>
    %broadcast_in_dim3A_37 = vector.shape_cast %concatenate3A_35 : vector<128xi32> to vector<1x128xi32>
    %eq3A = vector.broadcast %broadcast_in_dim3A_36 : vector<64x1xi32> to vector<64x128xi32>
    %eq3A_38 = vector.broadcast %broadcast_in_dim3A_37 : vector<1x128xi32> to vector<64x128xi32>
    %eq3A_39 = arith.cmpi eq, %eq3A, %eq3A_38 : vector<64x128xi32>
    %jit3A = arith.constant -5.000000e+04 : f32
    %broadcast_in_dim3A_40 = vector.broadcast %jit3A : f32 to vector<64x128xf32>
    %select_n3A = arith.select %eq3A_39, %broadcast_in_dim3A_40, %mul3A_22 : vector<64x128xi1>, vector<64x128xf32>
    %slice3A_41 = vector.extract_strided_slice %slice3A {offsets = [64, 0], sizes = [64, 64], strides = [1, 1]} : vector<1024x64xf32> to vector<64x64xf32>
    %slice3A_42 = vector.extract_strided_slice %div3A_16 {offsets = [64, 0], sizes = [128, 64], strides = [1, 1]} : vector<1088x64xf32> to vector<128x64xf32>
    %dot_general3A_43 = arith.constant dense<0.000000e+00> : vector<64x128xf32>
    %dot_general3A_44 = tpu.matmul %slice3A_41, %slice3A_42, %dot_general3A_43 {dimension_numbers = #tpu.dot_dimension_numbers<[1], [1], [0], [0], [0, 0, 1, 0], [], []>, transpose_lhs_hint = false} : vector<64x64xf32>, vector<128x64xf32>, vector<64x128xf32> -> vector<64x128xf32>
    %mul3A_45 = arith.constant 1.250000e-01 : f32
    %mul3A_46 = vector.broadcast %mul3A_45 : f32 to vector<64x128xf32>
    %mul3A_47 = arith.mulf %dot_general3A_44, %mul3A_46 : vector<64x128xf32>
    %get3A_48 = arith.constant 0 : index
    %get3A_49 = arith.constant 1 : index
    %get3A_50 = arith.constant 0 : index
    %get3A_51 = arith.constant 0 : index
    %get3A_52 = vector.load %arg4[%get3A_48, %get3A_49, %get3A_50, %get3A_51] : memref<1x16x1x64xi32, #tpu.memory_space<vmem>>, vector<1x1x1x64xi32>
    %get3A_53 = vector.shape_cast %get3A_52 : vector<1x1x1x64xi32> to vector<64xi32>
    %get3A_54 = arith.constant 0 : index
    %get3A_55 = arith.constant 0 : index
    %get3A_56 = arith.constant 0 : index
    %get3A_57 = arith.constant 0 : index
    %get3A_58 = vector.load %arg4[%get3A_54, %get3A_55, %get3A_56, %get3A_57] : memref<1x16x1x64xi32, #tpu.memory_space<vmem>>, vector<1x1x1x64xi32>
    %get3A_59 = vector.shape_cast %get3A_58 : vector<1x1x1x64xi32> to vector<64xi32>
    %concatenate3A_60 = tpu.concatenate %get3A_59, %get3A_53 in 0 : vector<64xi32>, vector<64xi32> -> vector<128xi32>
    %broadcast_in_dim3A_61 = vector.shape_cast %get3A_53 : vector<64xi32> to vector<64x1xi32>
    %broadcast_in_dim3A_62 = vector.shape_cast %concatenate3A_60 : vector<128xi32> to vector<1x128xi32>
    %eq3A_63 = vector.broadcast %broadcast_in_dim3A_61 : vector<64x1xi32> to vector<64x128xi32>
    %eq3A_64 = vector.broadcast %broadcast_in_dim3A_62 : vector<1x128xi32> to vector<64x128xi32>
    %eq3A_65 = arith.cmpi eq, %eq3A_63, %eq3A_64 : vector<64x128xi32>
    %jit3A_66 = arith.constant -5.000000e+04 : f32
    %broadcast_in_dim3A_67 = vector.broadcast %jit3A_66 : f32 to vector<64x128xf32>
    %select_n3A_68 = arith.select %eq3A_65, %broadcast_in_dim3A_67, %mul3A_47 : vector<64x128xi1>, vector<64x128xf32>
    %slice3A_69 = vector.extract_strided_slice %slice3A {offsets = [128, 0], sizes = [64, 64], strides = [1, 1]} : vector<1024x64xf32> to vector<64x64xf32>
    %slice3A_70 = vector.extract_strided_slice %div3A_16 {offsets = [128, 0], sizes = [128, 64], strides = [1, 1]} : vector<1088x64xf32> to vector<128x64xf32>
    %dot_general3A_71 = arith.constant dense<0.000000e+00> : vector<64x128xf32>
    %dot_general3A_72 = tpu.matmul %slice3A_69, %slice3A_70, %dot_general3A_71 {dimension_numbers = #tpu.dot_dimension_numbers<[1], [1], [0], [0], [0, 0, 1, 0], [], []>, transpose_lhs_hint = false} : vector<64x64xf32>, vector<128x64xf32>, vector<64x128xf32> -> vector<64x128xf32>
    %mul3A_73 = arith.constant 1.250000e-01 : f32
    %mul3A_74 = vector.broadcast %mul3A_73 : f32 to vector<64x128xf32>
    %mul3A_75 = arith.mulf %dot_general3A_72, %mul3A_74 : vector<64x128xf32>
    %get3A_76 = arith.constant 0 : index
    %get3A_77 = arith.constant 2 : index
    %get3A_78 = arith.constant 0 : index
    %get3A_79 = arith.constant 0 : index
    %get3A_80 = vector.load %arg4[%get3A_76, %get3A_77, %get3A_78, %get3A_79] : memref<1x16x1x64xi32, #tpu.memory_space<vmem>>, vector<1x1x1x64xi32>
    %get3A_81 = vector.shape_cast %get3A_80 : vector<1x1x1x64xi32> to vector<64xi32>
    %get3A_82 = arith.constant 0 : index
    %get3A_83 = arith.constant 1 : index
    %get3A_84 = arith.constant 0 : index
    %get3A_85 = arith.constant 0 : index
    %get3A_86 = vector.load %arg4[%get3A_82, %get3A_83, %get3A_84, %get3A_85] : memref<1x16x1x64xi32, #tpu.memory_space<vmem>>, vector<1x1x1x64xi32>
    %get3A_87 = vector.shape_cast %get3A_86 : vector<1x1x1x64xi32> to vector<64xi32>
    %concatenate3A_88 = tpu.concatenate %get3A_87, %get3A_81 in 0 : vector<64xi32>, vector<64xi32> -> vector<128xi32>
    %broadcast_in_dim3A_89 = vector.shape_cast %get3A_81 : vector<64xi32> to vector<64x1xi32>
    %broadcast_in_dim3A_90 = vector.shape_cast %concatenate3A_88 : vector<128xi32> to vector<1x128xi32>
    %eq3A_91 = vector.broadcast %broadcast_in_dim3A_89 : vector<64x1xi32> to vector<64x128xi32>
    %eq3A_92 = vector.broadcast %broadcast_in_dim3A_90 : vector<1x128xi32> to vector<64x128xi32>
    %eq3A_93 = arith.cmpi eq, %eq3A_91, %eq3A_92 : vector<64x128xi32>
    %jit3A_94 = arith.constant -5.000000e+04 : f32
    %broadcast_in_dim3A_95 = vector.broadcast %jit3A_94 : f32 to vector<64x128xf32>
    %select_n3A_96 = arith.select %eq3A_93, %broadcast_in_dim3A_95, %mul3A_75 : vector<64x128xi1>, vector<64x128xf32>
    %slice3A_97 = vector.extract_strided_slice %slice3A {offsets = [192, 0], sizes = [64, 64], strides = [1, 1]} : vector<1024x64xf32> to vector<64x64xf32>
    %slice3A_98 = vector.extract_strided_slice %div3A_16 {offsets = [192, 0], sizes = [128, 64], strides = [1, 1]} : vector<1088x64xf32> to vector<128x64xf32>
    %dot_general3A_99 = arith.constant dense<0.000000e+00> : vector<64x128xf32>
    %dot_general3A_100 = tpu.matmul %slice3A_97, %slice3A_98, %dot_general3A_99 {dimension_numbers = #tpu.dot_dimension_numbers<[1], [1], [0], [0], [0, 0, 1, 0], [], []>, transpose_lhs_hint = false} : vector<64x64xf32>, vector<128x64xf32>, vector<64x128xf32> -> vector<64x128xf32>
    %mul3A_101 = arith.constant 1.250000e-01 : f32
    %mul3A_102 = vector.broadcast %mul3A_101 : f32 to vector<64x128xf32>
    %mul3A_103 = arith.mulf %dot_general3A_100, %mul3A_102 : vector<64x128xf32>
    %get3A_104 = arith.constant 0 : index
    %get3A_105 = arith.constant 3 : index
    %get3A_106 = arith.constant 0 : index
    %get3A_107 = arith.constant 0 : index
    %get3A_108 = vector.load %arg4[%get3A_104, %get3A_105, %get3A_106, %get3A_107] : memref<1x16x1x64xi32, #tpu.memory_space<vmem>>, vector<1x1x1x64xi32>
    %get3A_109 = vector.shape_cast %get3A_108 : vector<1x1x1x64xi32> to vector<64xi32>
    %get3A_110 = arith.constant 0 : index
    %get3A_111 = arith.constant 2 : index
    %get3A_112 = arith.constant 0 : index
    %get3A_113 = arith.constant 0 : index
    %get3A_114 = vector.load %arg4[%get3A_110, %get3A_111, %get3A_112, %get3A_113] : memref<1x16x1x64xi32, #tpu.memory_space<vmem>>, vector<1x1x1x64xi32>
    %get3A_115 = vector.shape_cast %get3A_114 : vector<1x1x1x64xi32> to vector<64xi32>
    %concatenate3A_116 = tpu.concatenate %get3A_115, %get3A_109 in 0 : vector<64xi32>, vector<64xi32> -> vector<128xi32>
    %broadcast_in_dim3A_117 = vector.shape_cast %get3A_109 : vector<64xi32> to vector<64x1xi32>
    %broadcast_in_dim3A_118 = vector.shape_cast %concatenate3A_116 : vector<128xi32> to vector<1x128xi32>
    %eq3A_119 = vector.broadcast %broadcast_in_dim3A_117 : vector<64x1xi32> to vector<64x128xi32>
    %eq3A_120 = vector.broadcast %broadcast_in_dim3A_118 : vector<1x128xi32> to vector<64x128xi32>
    %eq3A_121 = arith.cmpi eq, %eq3A_119, %eq3A_120 : vector<64x128xi32>
    %jit3A_122 = arith.constant -5.000000e+04 : f32
    %broadcast_in_dim3A_123 = vector.broadcast %jit3A_122 : f32 to vector<64x128xf32>
    %select_n3A_124 = arith.select %eq3A_121, %broadcast_in_dim3A_123, %mul3A_103 : vector<64x128xi1>, vector<64x128xf32>
    %slice3A_125 = vector.extract_strided_slice %slice3A {offsets = [256, 0], sizes = [64, 64], strides = [1, 1]} : vector<1024x64xf32> to vector<64x64xf32>
    %slice3A_126 = vector.extract_strided_slice %div3A_16 {offsets = [256, 0], sizes = [128, 64], strides = [1, 1]} : vector<1088x64xf32> to vector<128x64xf32>
    %dot_general3A_127 = arith.constant dense<0.000000e+00> : vector<64x128xf32>
    %dot_general3A_128 = tpu.matmul %slice3A_125, %slice3A_126, %dot_general3A_127 {dimension_numbers = #tpu.dot_dimension_numbers<[1], [1], [0], [0], [0, 0, 1, 0], [], []>, transpose_lhs_hint = false} : vector<64x64xf32>, vector<128x64xf32>, vector<64x128xf32> -> vector<64x128xf32>
    %mul3A_129 = arith.constant 1.250000e-01 : f32
    %mul3A_130 = vector.broadcast %mul3A_129 : f32 to vector<64x128xf32>
    %mul3A_131 = arith.mulf %dot_general3A_128, %mul3A_130 : vector<64x128xf32>
    %get3A_132 = arith.constant 0 : index
    %get3A_133 = arith.constant 4 : index
    %get3A_134 = arith.constant 0 : index
    %get3A_135 = arith.constant 0 : index
    %get3A_136 = vector.load %arg4[%get3A_132, %get3A_133, %get3A_134, %get3A_135] : memref<1x16x1x64xi32, #tpu.memory_space<vmem>>, vector<1x1x1x64xi32>
    %get3A_137 = vector.shape_cast %get3A_136 : vector<1x1x1x64xi32> to vector<64xi32>
    %get3A_138 = arith.constant 0 : index
    %get3A_139 = arith.constant 3 : index
    %get3A_140 = arith.constant 0 : index
    %get3A_141 = arith.constant 0 : index
    %get3A_142 = vector.load %arg4[%get3A_138, %get3A_139, %get3A_140, %get3A_141] : memref<1x16x1x64xi32, #tpu.memory_space<vmem>>, vector<1x1x1x64xi32>
    %get3A_143 = vector.shape_cast %get3A_142 : vector<1x1x1x64xi32> to vector<64xi32>
    %concatenate3A_144 = tpu.concatenate %get3A_143, %get3A_137 in 0 : vector<64xi32>, vector<64xi32> -> vector<128xi32>
    %broadcast_in_dim3A_145 = vector.shape_cast %get3A_137 : vector<64xi32> to vector<64x1xi32>
    %broadcast_in_dim3A_146 = vector.shape_cast %concatenate3A_144 : vector<128xi32> to vector<1x128xi32>
    %eq3A_147 = vector.broadcast %broadcast_in_dim3A_145 : vector<64x1xi32> to vector<64x128xi32>
    %eq3A_148 = vector.broadcast %broadcast_in_dim3A_146 : vector<1x128xi32> to vector<64x128xi32>
    %eq3A_149 = arith.cmpi eq, %eq3A_147, %eq3A_148 : vector<64x128xi32>
    %jit3A_150 = arith.constant -5.000000e+04 : f32
    %broadcast_in_dim3A_151 = vector.broadcast %jit3A_150 : f32 to vector<64x128xf32>
    %select_n3A_152 = arith.select %eq3A_149, %broadcast_in_dim3A_151, %mul3A_131 : vector<64x128xi1>, vector<64x128xf32>
    %slice3A_153 = vector.extract_strided_slice %slice3A {offsets = [320, 0], sizes = [64, 64], strides = [1, 1]} : vector<1024x64xf32> to vector<64x64xf32>
    %slice3A_154 = vector.extract_strided_slice %div3A_16 {offsets = [320, 0], sizes = [128, 64], strides = [1, 1]} : vector<1088x64xf32> to vector<128x64xf32>
    %dot_general3A_155 = arith.constant dense<0.000000e+00> : vector<64x128xf32>
    %dot_general3A_156 = tpu.matmul %slice3A_153, %slice3A_154, %dot_general3A_155 {dimension_numbers = #tpu.dot_dimension_numbers<[1], [1], [0], [0], [0, 0, 1, 0], [], []>, transpose_lhs_hint = false} : vector<64x64xf32>, vector<128x64xf32>, vector<64x128xf32> -> vector<64x128xf32>
    %mul3A_157 = arith.constant 1.250000e-01 : f32
    %mul3A_158 = vector.broadcast %mul3A_157 : f32 to vector<64x128xf32>
    %mul3A_159 = arith.mulf %dot_general3A_156, %mul3A_158 : vector<64x128xf32>
    %get3A_160 = arith.constant 0 : index
    %get3A_161 = arith.constant 5 : index
    %get3A_162 = arith.constant 0 : index
    %get3A_163 = arith.constant 0 : index
    %get3A_164 = vector.load %arg4[%get3A_160, %get3A_161, %get3A_162, %get3A_163] : memref<1x16x1x64xi32, #tpu.memory_space<vmem>>, vector<1x1x1x64xi32>
    %get3A_165 = vector.shape_cast %get3A_164 : vector<1x1x1x64xi32> to vector<64xi32>
    %get3A_166 = arith.constant 0 : index
    %get3A_167 = arith.constant 4 : index
    %get3A_168 = arith.constant 0 : index
    %get3A_169 = arith.constant 0 : index
    %get3A_170 = vector.load %arg4[%get3A_166, %get3A_167, %get3A_168, %get3A_169] : memref<1x16x1x64xi32, #tpu.memory_space<vmem>>, vector<1x1x1x64xi32>
    %get3A_171 = vector.shape_cast %get3A_170 : vector<1x1x1x64xi32> to vector<64xi32>
    %concatenate3A_172 = tpu.concatenate %get3A_171, %get3A_165 in 0 : vector<64xi32>, vector<64xi32> -> vector<128xi32>
    %broadcast_in_dim3A_173 = vector.shape_cast %get3A_165 : vector<64xi32> to vector<64x1xi32>
    %broadcast_in_dim3A_174 = vector.shape_cast %concatenate3A_172 : vector<128xi32> to vector<1x128xi32>
    %eq3A_175 = vector.broadcast %broadcast_in_dim3A_173 : vector<64x1xi32> to vector<64x128xi32>
    %eq3A_176 = vector.broadcast %broadcast_in_dim3A_174 : vector<1x128xi32> to vector<64x128xi32>
    %eq3A_177 = arith.cmpi eq, %eq3A_175, %eq3A_176 : vector<64x128xi32>
    %jit3A_178 = arith.constant -5.000000e+04 : f32
    %broadcast_in_dim3A_179 = vector.broadcast %jit3A_178 : f32 to vector<64x128xf32>
    %select_n3A_180 = arith.select %eq3A_177, %broadcast_in_dim3A_179, %mul3A_159 : vector<64x128xi1>, vector<64x128xf32>
    %slice3A_181 = vector.extract_strided_slice %slice3A {offsets = [384, 0], sizes = [64, 64], strides = [1, 1]} : vector<1024x64xf32> to vector<64x64xf32>
    %slice3A_182 = vector.extract_strided_slice %div3A_16 {offsets = [384, 0], sizes = [128, 64], strides = [1, 1]} : vector<1088x64xf32> to vector<128x64xf32>
    %dot_general3A_183 = arith.constant dense<0.000000e+00> : vector<64x128xf32>
    %dot_general3A_184 = tpu.matmul %slice3A_181, %slice3A_182, %dot_general3A_183 {dimension_numbers = #tpu.dot_dimension_numbers<[1], [1], [0], [0], [0, 0, 1, 0], [], []>, transpose_lhs_hint = false} : vector<64x64xf32>, vector<128x64xf32>, vector<64x128xf32> -> vector<64x128xf32>
    %mul3A_185 = arith.constant 1.250000e-01 : f32
    %mul3A_186 = vector.broadcast %mul3A_185 : f32 to vector<64x128xf32>
    %mul3A_187 = arith.mulf %dot_general3A_184, %mul3A_186 : vector<64x128xf32>
    %get3A_188 = arith.constant 0 : index
    %get3A_189 = arith.constant 6 : index
    %get3A_190 = arith.constant 0 : index
    %get3A_191 = arith.constant 0 : index
    %get3A_192 = vector.load %arg4[%get3A_188, %get3A_189, %get3A_190, %get3A_191] : memref<1x16x1x64xi32, #tpu.memory_space<vmem>>, vector<1x1x1x64xi32>
    %get3A_193 = vector.shape_cast %get3A_192 : vector<1x1x1x64xi32> to vector<64xi32>
    %get3A_194 = arith.constant 0 : index
    %get3A_195 = arith.constant 5 : index
    %get3A_196 = arith.constant 0 : index
    %get3A_197 = arith.constant 0 : index
    %get3A_198 = vector.load %arg4[%get3A_194, %get3A_195, %get3A_196, %get3A_197] : memref<1x16x1x64xi32, #tpu.memory_space<vmem>>, vector<1x1x1x64xi32>
    %get3A_199 = vector.shape_cast %get3A_198 : vector<1x1x1x64xi32> to vector<64xi32>
    %concatenate3A_200 = tpu.concatenate %get3A_199, %get3A_193 in 0 : vector<64xi32>, vector<64xi32> -> vector<128xi32>
    %broadcast_in_dim3A_201 = vector.shape_cast %get3A_193 : vector<64xi32> to vector<64x1xi32>
    %broadcast_in_dim3A_202 = vector.shape_cast %concatenate3A_200 : vector<128xi32> to vector<1x128xi32>
    %eq3A_203 = vector.broadcast %broadcast_in_dim3A_201 : vector<64x1xi32> to vector<64x128xi32>
    %eq3A_204 = vector.broadcast %broadcast_in_dim3A_202 : vector<1x128xi32> to vector<64x128xi32>
    %eq3A_205 = arith.cmpi eq, %eq3A_203, %eq3A_204 : vector<64x128xi32>
    %jit3A_206 = arith.constant -5.000000e+04 : f32
    %broadcast_in_dim3A_207 = vector.broadcast %jit3A_206 : f32 to vector<64x128xf32>
    %select_n3A_208 = arith.select %eq3A_205, %broadcast_in_dim3A_207, %mul3A_187 : vector<64x128xi1>, vector<64x128xf32>
    %slice3A_209 = vector.extract_strided_slice %slice3A {offsets = [448, 0], sizes = [64, 64], strides = [1, 1]} : vector<1024x64xf32> to vector<64x64xf32>
    %slice3A_210 = vector.extract_strided_slice %div3A_16 {offsets = [448, 0], sizes = [128, 64], strides = [1, 1]} : vector<1088x64xf32> to vector<128x64xf32>
    %dot_general3A_211 = arith.constant dense<0.000000e+00> : vector<64x128xf32>
    %dot_general3A_212 = tpu.matmul %slice3A_209, %slice3A_210, %dot_general3A_211 {dimension_numbers = #tpu.dot_dimension_numbers<[1], [1], [0], [0], [0, 0, 1, 0], [], []>, transpose_lhs_hint = false} : vector<64x64xf32>, vector<128x64xf32>, vector<64x128xf32> -> vector<64x128xf32>
    %mul3A_213 = arith.constant 1.250000e-01 : f32
    %mul3A_214 = vector.broadcast %mul3A_213 : f32 to vector<64x128xf32>
    %mul3A_215 = arith.mulf %dot_general3A_212, %mul3A_214 : vector<64x128xf32>
    %get3A_216 = arith.constant 0 : index
    %get3A_217 = arith.constant 7 : index
    %get3A_218 = arith.constant 0 : index
    %get3A_219 = arith.constant 0 : index
    %get3A_220 = vector.load %arg4[%get3A_216, %get3A_217, %get3A_218, %get3A_219] : memref<1x16x1x64xi32, #tpu.memory_space<vmem>>, vector<1x1x1x64xi32>
    %get3A_221 = vector.shape_cast %get3A_220 : vector<1x1x1x64xi32> to vector<64xi32>
    %get3A_222 = arith.constant 0 : index
    %get3A_223 = arith.constant 6 : index
    %get3A_224 = arith.constant 0 : index
    %get3A_225 = arith.constant 0 : index
    %get3A_226 = vector.load %arg4[%get3A_222, %get3A_223, %get3A_224, %get3A_225] : memref<1x16x1x64xi32, #tpu.memory_space<vmem>>, vector<1x1x1x64xi32>
    %get3A_227 = vector.shape_cast %get3A_226 : vector<1x1x1x64xi32> to vector<64xi32>
    %concatenate3A_228 = tpu.concatenate %get3A_227, %get3A_221 in 0 : vector<64xi32>, vector<64xi32> -> vector<128xi32>
    %broadcast_in_dim3A_229 = vector.shape_cast %get3A_221 : vector<64xi32> to vector<64x1xi32>
    %broadcast_in_dim3A_230 = vector.shape_cast %concatenate3A_228 : vector<128xi32> to vector<1x128xi32>
    %eq3A_231 = vector.broadcast %broadcast_in_dim3A_229 : vector<64x1xi32> to vector<64x128xi32>
    %eq3A_232 = vector.broadcast %broadcast_in_dim3A_230 : vector<1x128xi32> to vector<64x128xi32>
    %eq3A_233 = arith.cmpi eq, %eq3A_231, %eq3A_232 : vector<64x128xi32>
    %jit3A_234 = arith.constant -5.000000e+04 : f32
    %broadcast_in_dim3A_235 = vector.broadcast %jit3A_234 : f32 to vector<64x128xf32>
    %select_n3A_236 = arith.select %eq3A_233, %broadcast_in_dim3A_235, %mul3A_215 : vector<64x128xi1>, vector<64x128xf32>
    %slice3A_237 = vector.extract_strided_slice %slice3A {offsets = [512, 0], sizes = [64, 64], strides = [1, 1]} : vector<1024x64xf32> to vector<64x64xf32>
    %slice3A_238 = vector.extract_strided_slice %div3A_16 {offsets = [512, 0], sizes = [128, 64], strides = [1, 1]} : vector<1088x64xf32> to vector<128x64xf32>
    %dot_general3A_239 = arith.constant dense<0.000000e+00> : vector<64x128xf32>
    %dot_general3A_240 = tpu.matmul %slice3A_237, %slice3A_238, %dot_general3A_239 {dimension_numbers = #tpu.dot_dimension_numbers<[1], [1], [0], [0], [0, 0, 1, 0], [], []>, transpose_lhs_hint = false} : vector<64x64xf32>, vector<128x64xf32>, vector<64x128xf32> -> vector<64x128xf32>
    %mul3A_241 = arith.constant 1.250000e-01 : f32
    %mul3A_242 = vector.broadcast %mul3A_241 : f32 to vector<64x128xf32>
    %mul3A_243 = arith.mulf %dot_general3A_240, %mul3A_242 : vector<64x128xf32>
    %get3A_244 = arith.constant 0 : index
    %get3A_245 = arith.constant 8 : index
    %get3A_246 = arith.constant 0 : index
    %get3A_247 = arith.constant 0 : index
    %get3A_248 = vector.load %arg4[%get3A_244, %get3A_245, %get3A_246, %get3A_247] : memref<1x16x1x64xi32, #tpu.memory_space<vmem>>, vector<1x1x1x64xi32>
    %get3A_249 = vector.shape_cast %get3A_248 : vector<1x1x1x64xi32> to vector<64xi32>
    %get3A_250 = arith.constant 0 : index
    %get3A_251 = arith.constant 7 : index
    %get3A_252 = arith.constant 0 : index
    %get3A_253 = arith.constant 0 : index
    %get3A_254 = vector.load %arg4[%get3A_250, %get3A_251, %get3A_252, %get3A_253] : memref<1x16x1x64xi32, #tpu.memory_space<vmem>>, vector<1x1x1x64xi32>
    %get3A_255 = vector.shape_cast %get3A_254 : vector<1x1x1x64xi32> to vector<64xi32>
    %concatenate3A_256 = tpu.concatenate %get3A_255, %get3A_249 in 0 : vector<64xi32>, vector<64xi32> -> vector<128xi32>
    %broadcast_in_dim3A_257 = vector.shape_cast %get3A_249 : vector<64xi32> to vector<64x1xi32>
    %broadcast_in_dim3A_258 = vector.shape_cast %concatenate3A_256 : vector<128xi32> to vector<1x128xi32>
    %eq3A_259 = vector.broadcast %broadcast_in_dim3A_257 : vector<64x1xi32> to vector<64x128xi32>
    %eq3A_260 = vector.broadcast %broadcast_in_dim3A_258 : vector<1x128xi32> to vector<64x128xi32>
    %eq3A_261 = arith.cmpi eq, %eq3A_259, %eq3A_260 : vector<64x128xi32>
    %jit3A_262 = arith.constant -5.000000e+04 : f32
    %broadcast_in_dim3A_263 = vector.broadcast %jit3A_262 : f32 to vector<64x128xf32>
    %select_n3A_264 = arith.select %eq3A_261, %broadcast_in_dim3A_263, %mul3A_243 : vector<64x128xi1>, vector<64x128xf32>
    %slice3A_265 = vector.extract_strided_slice %slice3A {offsets = [576, 0], sizes = [64, 64], strides = [1, 1]} : vector<1024x64xf32> to vector<64x64xf32>
    %slice3A_266 = vector.extract_strided_slice %div3A_16 {offsets = [576, 0], sizes = [128, 64], strides = [1, 1]} : vector<1088x64xf32> to vector<128x64xf32>
    %dot_general3A_267 = arith.constant dense<0.000000e+00> : vector<64x128xf32>
    %dot_general3A_268 = tpu.matmul %slice3A_265, %slice3A_266, %dot_general3A_267 {dimension_numbers = #tpu.dot_dimension_numbers<[1], [1], [0], [0], [0, 0, 1, 0], [], []>, transpose_lhs_hint = false} : vector<64x64xf32>, vector<128x64xf32>, vector<64x128xf32> -> vector<64x128xf32>
    %mul3A_269 = arith.constant 1.250000e-01 : f32
    %mul3A_270 = vector.broadcast %mul3A_269 : f32 to vector<64x128xf32>
    %mul3A_271 = arith.mulf %dot_general3A_268, %mul3A_270 : vector<64x128xf32>
    %get3A_272 = arith.constant 0 : index
    %get3A_273 = arith.constant 9 : index
    %get3A_274 = arith.constant 0 : index
    %get3A_275 = arith.constant 0 : index
    %get3A_276 = vector.load %arg4[%get3A_272, %get3A_273, %get3A_274, %get3A_275] : memref<1x16x1x64xi32, #tpu.memory_space<vmem>>, vector<1x1x1x64xi32>
    %get3A_277 = vector.shape_cast %get3A_276 : vector<1x1x1x64xi32> to vector<64xi32>
    %get3A_278 = arith.constant 0 : index
    %get3A_279 = arith.constant 8 : index
    %get3A_280 = arith.constant 0 : index
    %get3A_281 = arith.constant 0 : index
    %get3A_282 = vector.load %arg4[%get3A_278, %get3A_279, %get3A_280, %get3A_281] : memref<1x16x1x64xi32, #tpu.memory_space<vmem>>, vector<1x1x1x64xi32>
    %get3A_283 = vector.shape_cast %get3A_282 : vector<1x1x1x64xi32> to vector<64xi32>
    %concatenate3A_284 = tpu.concatenate %get3A_283, %get3A_277 in 0 : vector<64xi32>, vector<64xi32> -> vector<128xi32>
    %broadcast_in_dim3A_285 = vector.shape_cast %get3A_277 : vector<64xi32> to vector<64x1xi32>
    %broadcast_in_dim3A_286 = vector.shape_cast %concatenate3A_284 : vector<128xi32> to vector<1x128xi32>
    %eq3A_287 = vector.broadcast %broadcast_in_dim3A_285 : vector<64x1xi32> to vector<64x128xi32>
    %eq3A_288 = vector.broadcast %broadcast_in_dim3A_286 : vector<1x128xi32> to vector<64x128xi32>
    %eq3A_289 = arith.cmpi eq, %eq3A_287, %eq3A_288 : vector<64x128xi32>
    %jit3A_290 = arith.constant -5.000000e+04 : f32
    %broadcast_in_dim3A_291 = vector.broadcast %jit3A_290 : f32 to vector<64x128xf32>
    %select_n3A_292 = arith.select %eq3A_289, %broadcast_in_dim3A_291, %mul3A_271 : vector<64x128xi1>, vector<64x128xf32>
    %slice3A_293 = vector.extract_strided_slice %slice3A {offsets = [640, 0], sizes = [64, 64], strides = [1, 1]} : vector<1024x64xf32> to vector<64x64xf32>
    %slice3A_294 = vector.extract_strided_slice %div3A_16 {offsets = [640, 0], sizes = [128, 64], strides = [1, 1]} : vector<1088x64xf32> to vector<128x64xf32>
    %dot_general3A_295 = arith.constant dense<0.000000e+00> : vector<64x128xf32>
    %dot_general3A_296 = tpu.matmul %slice3A_293, %slice3A_294, %dot_general3A_295 {dimension_numbers = #tpu.dot_dimension_numbers<[1], [1], [0], [0], [0, 0, 1, 0], [], []>, transpose_lhs_hint = false} : vector<64x64xf32>, vector<128x64xf32>, vector<64x128xf32> -> vector<64x128xf32>
    %mul3A_297 = arith.constant 1.250000e-01 : f32
    %mul3A_298 = vector.broadcast %mul3A_297 : f32 to vector<64x128xf32>
    %mul3A_299 = arith.mulf %dot_general3A_296, %mul3A_298 : vector<64x128xf32>
    %get3A_300 = arith.constant 0 : index
    %get3A_301 = arith.constant 10 : index
    %get3A_302 = arith.constant 0 : index
    %get3A_303 = arith.constant 0 : index
    %get3A_304 = vector.load %arg4[%get3A_300, %get3A_301, %get3A_302, %get3A_303] : memref<1x16x1x64xi32, #tpu.memory_space<vmem>>, vector<1x1x1x64xi32>
    %get3A_305 = vector.shape_cast %get3A_304 : vector<1x1x1x64xi32> to vector<64xi32>
    %get3A_306 = arith.constant 0 : index
    %get3A_307 = arith.constant 9 : index
    %get3A_308 = arith.constant 0 : index
    %get3A_309 = arith.constant 0 : index
    %get3A_310 = vector.load %arg4[%get3A_306, %get3A_307, %get3A_308, %get3A_309] : memref<1x16x1x64xi32, #tpu.memory_space<vmem>>, vector<1x1x1x64xi32>
    %get3A_311 = vector.shape_cast %get3A_310 : vector<1x1x1x64xi32> to vector<64xi32>
    %concatenate3A_312 = tpu.concatenate %get3A_311, %get3A_305 in 0 : vector<64xi32>, vector<64xi32> -> vector<128xi32>
    %broadcast_in_dim3A_313 = vector.shape_cast %get3A_305 : vector<64xi32> to vector<64x1xi32>
    %broadcast_in_dim3A_314 = vector.shape_cast %concatenate3A_312 : vector<128xi32> to vector<1x128xi32>
    %eq3A_315 = vector.broadcast %broadcast_in_dim3A_313 : vector<64x1xi32> to vector<64x128xi32>
    %eq3A_316 = vector.broadcast %broadcast_in_dim3A_314 : vector<1x128xi32> to vector<64x128xi32>
    %eq3A_317 = arith.cmpi eq, %eq3A_315, %eq3A_316 : vector<64x128xi32>
    %jit3A_318 = arith.constant -5.000000e+04 : f32
    %broadcast_in_dim3A_319 = vector.broadcast %jit3A_318 : f32 to vector<64x128xf32>
    %select_n3A_320 = arith.select %eq3A_317, %broadcast_in_dim3A_319, %mul3A_299 : vector<64x128xi1>, vector<64x128xf32>
    %slice3A_321 = vector.extract_strided_slice %slice3A {offsets = [704, 0], sizes = [64, 64], strides = [1, 1]} : vector<1024x64xf32> to vector<64x64xf32>
    %slice3A_322 = vector.extract_strided_slice %div3A_16 {offsets = [704, 0], sizes = [128, 64], strides = [1, 1]} : vector<1088x64xf32> to vector<128x64xf32>
    %dot_general3A_323 = arith.constant dense<0.000000e+00> : vector<64x128xf32>
    %dot_general3A_324 = tpu.matmul %slice3A_321, %slice3A_322, %dot_general3A_323 {dimension_numbers = #tpu.dot_dimension_numbers<[1], [1], [0], [0], [0, 0, 1, 0], [], []>, transpose_lhs_hint = false} : vector<64x64xf32>, vector<128x64xf32>, vector<64x128xf32> -> vector<64x128xf32>
    %mul3A_325 = arith.constant 1.250000e-01 : f32
    %mul3A_326 = vector.broadcast %mul3A_325 : f32 to vector<64x128xf32>
    %mul3A_327 = arith.mulf %dot_general3A_324, %mul3A_326 : vector<64x128xf32>
    %get3A_328 = arith.constant 0 : index
    %get3A_329 = arith.constant 11 : index
    %get3A_330 = arith.constant 0 : index
    %get3A_331 = arith.constant 0 : index
    %get3A_332 = vector.load %arg4[%get3A_328, %get3A_329, %get3A_330, %get3A_331] : memref<1x16x1x64xi32, #tpu.memory_space<vmem>>, vector<1x1x1x64xi32>
    %get3A_333 = vector.shape_cast %get3A_332 : vector<1x1x1x64xi32> to vector<64xi32>
    %get3A_334 = arith.constant 0 : index
    %get3A_335 = arith.constant 10 : index
    %get3A_336 = arith.constant 0 : index
    %get3A_337 = arith.constant 0 : index
    %get3A_338 = vector.load %arg4[%get3A_334, %get3A_335, %get3A_336, %get3A_337] : memref<1x16x1x64xi32, #tpu.memory_space<vmem>>, vector<1x1x1x64xi32>
    %get3A_339 = vector.shape_cast %get3A_338 : vector<1x1x1x64xi32> to vector<64xi32>
    %concatenate3A_340 = tpu.concatenate %get3A_339, %get3A_333 in 0 : vector<64xi32>, vector<64xi32> -> vector<128xi32>
    %broadcast_in_dim3A_341 = vector.shape_cast %get3A_333 : vector<64xi32> to vector<64x1xi32>
    %broadcast_in_dim3A_342 = vector.shape_cast %concatenate3A_340 : vector<128xi32> to vector<1x128xi32>
    %eq3A_343 = vector.broadcast %broadcast_in_dim3A_341 : vector<64x1xi32> to vector<64x128xi32>
    %eq3A_344 = vector.broadcast %broadcast_in_dim3A_342 : vector<1x128xi32> to vector<64x128xi32>
    %eq3A_345 = arith.cmpi eq, %eq3A_343, %eq3A_344 : vector<64x128xi32>
    %jit3A_346 = arith.constant -5.000000e+04 : f32
    %broadcast_in_dim3A_347 = vector.broadcast %jit3A_346 : f32 to vector<64x128xf32>
    %select_n3A_348 = arith.select %eq3A_345, %broadcast_in_dim3A_347, %mul3A_327 : vector<64x128xi1>, vector<64x128xf32>
    %slice3A_349 = vector.extract_strided_slice %slice3A {offsets = [768, 0], sizes = [64, 64], strides = [1, 1]} : vector<1024x64xf32> to vector<64x64xf32>
    %slice3A_350 = vector.extract_strided_slice %div3A_16 {offsets = [768, 0], sizes = [128, 64], strides = [1, 1]} : vector<1088x64xf32> to vector<128x64xf32>
    %dot_general3A_351 = arith.constant dense<0.000000e+00> : vector<64x128xf32>
    %dot_general3A_352 = tpu.matmul %slice3A_349, %slice3A_350, %dot_general3A_351 {dimension_numbers = #tpu.dot_dimension_numbers<[1], [1], [0], [0], [0, 0, 1, 0], [], []>, transpose_lhs_hint = false} : vector<64x64xf32>, vector<128x64xf32>, vector<64x128xf32> -> vector<64x128xf32>
    %mul3A_353 = arith.constant 1.250000e-01 : f32
    %mul3A_354 = vector.broadcast %mul3A_353 : f32 to vector<64x128xf32>
    %mul3A_355 = arith.mulf %dot_general3A_352, %mul3A_354 : vector<64x128xf32>
    %get3A_356 = arith.constant 0 : index
    %get3A_357 = arith.constant 12 : index
    %get3A_358 = arith.constant 0 : index
    %get3A_359 = arith.constant 0 : index
    %get3A_360 = vector.load %arg4[%get3A_356, %get3A_357, %get3A_358, %get3A_359] : memref<1x16x1x64xi32, #tpu.memory_space<vmem>>, vector<1x1x1x64xi32>
    %get3A_361 = vector.shape_cast %get3A_360 : vector<1x1x1x64xi32> to vector<64xi32>
    %get3A_362 = arith.constant 0 : index
    %get3A_363 = arith.constant 11 : index
    %get3A_364 = arith.constant 0 : index
    %get3A_365 = arith.constant 0 : index
    %get3A_366 = vector.load %arg4[%get3A_362, %get3A_363, %get3A_364, %get3A_365] : memref<1x16x1x64xi32, #tpu.memory_space<vmem>>, vector<1x1x1x64xi32>
    %get3A_367 = vector.shape_cast %get3A_366 : vector<1x1x1x64xi32> to vector<64xi32>
    %concatenate3A_368 = tpu.concatenate %get3A_367, %get3A_361 in 0 : vector<64xi32>, vector<64xi32> -> vector<128xi32>
    %broadcast_in_dim3A_369 = vector.shape_cast %get3A_361 : vector<64xi32> to vector<64x1xi32>
    %broadcast_in_dim3A_370 = vector.shape_cast %concatenate3A_368 : vector<128xi32> to vector<1x128xi32>
    %eq3A_371 = vector.broadcast %broadcast_in_dim3A_369 : vector<64x1xi32> to vector<64x128xi32>
    %eq3A_372 = vector.broadcast %broadcast_in_dim3A_370 : vector<1x128xi32> to vector<64x128xi32>
    %eq3A_373 = arith.cmpi eq, %eq3A_371, %eq3A_372 : vector<64x128xi32>
    %jit3A_374 = arith.constant -5.000000e+04 : f32
    %broadcast_in_dim3A_375 = vector.broadcast %jit3A_374 : f32 to vector<64x128xf32>
    %select_n3A_376 = arith.select %eq3A_373, %broadcast_in_dim3A_375, %mul3A_355 : vector<64x128xi1>, vector<64x128xf32>
    %slice3A_377 = vector.extract_strided_slice %slice3A {offsets = [832, 0], sizes = [64, 64], strides = [1, 1]} : vector<1024x64xf32> to vector<64x64xf32>
    %slice3A_378 = vector.extract_strided_slice %div3A_16 {offsets = [832, 0], sizes = [128, 64], strides = [1, 1]} : vector<1088x64xf32> to vector<128x64xf32>
    %dot_general3A_379 = arith.constant dense<0.000000e+00> : vector<64x128xf32>
    %dot_general3A_380 = tpu.matmul %slice3A_377, %slice3A_378, %dot_general3A_379 {dimension_numbers = #tpu.dot_dimension_numbers<[1], [1], [0], [0], [0, 0, 1, 0], [], []>, transpose_lhs_hint = false} : vector<64x64xf32>, vector<128x64xf32>, vector<64x128xf32> -> vector<64x128xf32>
    %mul3A_381 = arith.constant 1.250000e-01 : f32
    %mul3A_382 = vector.broadcast %mul3A_381 : f32 to vector<64x128xf32>
    %mul3A_383 = arith.mulf %dot_general3A_380, %mul3A_382 : vector<64x128xf32>
    %get3A_384 = arith.constant 0 : index
    %get3A_385 = arith.constant 13 : index
    %get3A_386 = arith.constant 0 : index
    %get3A_387 = arith.constant 0 : index
    %get3A_388 = vector.load %arg4[%get3A_384, %get3A_385, %get3A_386, %get3A_387] : memref<1x16x1x64xi32, #tpu.memory_space<vmem>>, vector<1x1x1x64xi32>
    %get3A_389 = vector.shape_cast %get3A_388 : vector<1x1x1x64xi32> to vector<64xi32>
    %get3A_390 = arith.constant 0 : index
    %get3A_391 = arith.constant 12 : index
    %get3A_392 = arith.constant 0 : index
    %get3A_393 = arith.constant 0 : index
    %get3A_394 = vector.load %arg4[%get3A_390, %get3A_391, %get3A_392, %get3A_393] : memref<1x16x1x64xi32, #tpu.memory_space<vmem>>, vector<1x1x1x64xi32>
    %get3A_395 = vector.shape_cast %get3A_394 : vector<1x1x1x64xi32> to vector<64xi32>
    %concatenate3A_396 = tpu.concatenate %get3A_395, %get3A_389 in 0 : vector<64xi32>, vector<64xi32> -> vector<128xi32>
    %broadcast_in_dim3A_397 = vector.shape_cast %get3A_389 : vector<64xi32> to vector<64x1xi32>
    %broadcast_in_dim3A_398 = vector.shape_cast %concatenate3A_396 : vector<128xi32> to vector<1x128xi32>
    %eq3A_399 = vector.broadcast %broadcast_in_dim3A_397 : vector<64x1xi32> to vector<64x128xi32>
    %eq3A_400 = vector.broadcast %broadcast_in_dim3A_398 : vector<1x128xi32> to vector<64x128xi32>
    %eq3A_401 = arith.cmpi eq, %eq3A_399, %eq3A_400 : vector<64x128xi32>
    %jit3A_402 = arith.constant -5.000000e+04 : f32
    %broadcast_in_dim3A_403 = vector.broadcast %jit3A_402 : f32 to vector<64x128xf32>
    %select_n3A_404 = arith.select %eq3A_401, %broadcast_in_dim3A_403, %mul3A_383 : vector<64x128xi1>, vector<64x128xf32>
    %slice3A_405 = vector.extract_strided_slice %slice3A {offsets = [896, 0], sizes = [64, 64], strides = [1, 1]} : vector<1024x64xf32> to vector<64x64xf32>
    %slice3A_406 = vector.extract_strided_slice %div3A_16 {offsets = [896, 0], sizes = [128, 64], strides = [1, 1]} : vector<1088x64xf32> to vector<128x64xf32>
    %dot_general3A_407 = arith.constant dense<0.000000e+00> : vector<64x128xf32>
    %dot_general3A_408 = tpu.matmul %slice3A_405, %slice3A_406, %dot_general3A_407 {dimension_numbers = #tpu.dot_dimension_numbers<[1], [1], [0], [0], [0, 0, 1, 0], [], []>, transpose_lhs_hint = false} : vector<64x64xf32>, vector<128x64xf32>, vector<64x128xf32> -> vector<64x128xf32>
    %mul3A_409 = arith.constant 1.250000e-01 : f32
    %mul3A_410 = vector.broadcast %mul3A_409 : f32 to vector<64x128xf32>
    %mul3A_411 = arith.mulf %dot_general3A_408, %mul3A_410 : vector<64x128xf32>
    %get3A_412 = arith.constant 0 : index
    %get3A_413 = arith.constant 14 : index
    %get3A_414 = arith.constant 0 : index
    %get3A_415 = arith.constant 0 : index
    %get3A_416 = vector.load %arg4[%get3A_412, %get3A_413, %get3A_414, %get3A_415] : memref<1x16x1x64xi32, #tpu.memory_space<vmem>>, vector<1x1x1x64xi32>
    %get3A_417 = vector.shape_cast %get3A_416 : vector<1x1x1x64xi32> to vector<64xi32>
    %get3A_418 = arith.constant 0 : index
    %get3A_419 = arith.constant 13 : index
    %get3A_420 = arith.constant 0 : index
    %get3A_421 = arith.constant 0 : index
    %get3A_422 = vector.load %arg4[%get3A_418, %get3A_419, %get3A_420, %get3A_421] : memref<1x16x1x64xi32, #tpu.memory_space<vmem>>, vector<1x1x1x64xi32>
    %get3A_423 = vector.shape_cast %get3A_422 : vector<1x1x1x64xi32> to vector<64xi32>
    %concatenate3A_424 = tpu.concatenate %get3A_423, %get3A_417 in 0 : vector<64xi32>, vector<64xi32> -> vector<128xi32>
    %broadcast_in_dim3A_425 = vector.shape_cast %get3A_417 : vector<64xi32> to vector<64x1xi32>
    %broadcast_in_dim3A_426 = vector.shape_cast %concatenate3A_424 : vector<128xi32> to vector<1x128xi32>
    %eq3A_427 = vector.broadcast %broadcast_in_dim3A_425 : vector<64x1xi32> to vector<64x128xi32>
    %eq3A_428 = vector.broadcast %broadcast_in_dim3A_426 : vector<1x128xi32> to vector<64x128xi32>
    %eq3A_429 = arith.cmpi eq, %eq3A_427, %eq3A_428 : vector<64x128xi32>
    %jit3A_430 = arith.constant -5.000000e+04 : f32
    %broadcast_in_dim3A_431 = vector.broadcast %jit3A_430 : f32 to vector<64x128xf32>
    %select_n3A_432 = arith.select %eq3A_429, %broadcast_in_dim3A_431, %mul3A_411 : vector<64x128xi1>, vector<64x128xf32>
    %slice3A_433 = vector.extract_strided_slice %slice3A {offsets = [960, 0], sizes = [64, 64], strides = [1, 1]} : vector<1024x64xf32> to vector<64x64xf32>
    %slice3A_434 = vector.extract_strided_slice %div3A_16 {offsets = [960, 0], sizes = [128, 64], strides = [1, 1]} : vector<1088x64xf32> to vector<128x64xf32>
    %dot_general3A_435 = arith.constant dense<0.000000e+00> : vector<64x128xf32>
    %dot_general3A_436 = tpu.matmul %slice3A_433, %slice3A_434, %dot_general3A_435 {dimension_numbers = #tpu.dot_dimension_numbers<[1], [1], [0], [0], [0, 0, 1, 0], [], []>, transpose_lhs_hint = false} : vector<64x64xf32>, vector<128x64xf32>, vector<64x128xf32> -> vector<64x128xf32>
    %mul3A_437 = arith.constant 1.250000e-01 : f32
    %mul3A_438 = vector.broadcast %mul3A_437 : f32 to vector<64x128xf32>
    %mul3A_439 = arith.mulf %dot_general3A_436, %mul3A_438 : vector<64x128xf32>
    %get3A_440 = arith.constant 0 : index
    %get3A_441 = arith.constant 15 : index
    %get3A_442 = arith.constant 0 : index
    %get3A_443 = arith.constant 0 : index
    %get3A_444 = vector.load %arg4[%get3A_440, %get3A_441, %get3A_442, %get3A_443] : memref<1x16x1x64xi32, #tpu.memory_space<vmem>>, vector<1x1x1x64xi32>
    %get3A_445 = vector.shape_cast %get3A_444 : vector<1x1x1x64xi32> to vector<64xi32>
    %get3A_446 = arith.constant 0 : index
    %get3A_447 = arith.constant 14 : index
    %get3A_448 = arith.constant 0 : index
    %get3A_449 = arith.constant 0 : index
    %get3A_450 = vector.load %arg4[%get3A_446, %get3A_447, %get3A_448, %get3A_449] : memref<1x16x1x64xi32, #tpu.memory_space<vmem>>, vector<1x1x1x64xi32>
    %get3A_451 = vector.shape_cast %get3A_450 : vector<1x1x1x64xi32> to vector<64xi32>
    %concatenate3A_452 = tpu.concatenate %get3A_451, %get3A_445 in 0 : vector<64xi32>, vector<64xi32> -> vector<128xi32>
    %broadcast_in_dim3A_453 = vector.shape_cast %get3A_445 : vector<64xi32> to vector<64x1xi32>
    %broadcast_in_dim3A_454 = vector.shape_cast %concatenate3A_452 : vector<128xi32> to vector<1x128xi32>
    %eq3A_455 = vector.broadcast %broadcast_in_dim3A_453 : vector<64x1xi32> to vector<64x128xi32>
    %eq3A_456 = vector.broadcast %broadcast_in_dim3A_454 : vector<1x128xi32> to vector<64x128xi32>
    %eq3A_457 = arith.cmpi eq, %eq3A_455, %eq3A_456 : vector<64x128xi32>
    %jit3A_458 = arith.constant -5.000000e+04 : f32
    %broadcast_in_dim3A_459 = vector.broadcast %jit3A_458 : f32 to vector<64x128xf32>
    %select_n3A_460 = arith.select %eq3A_457, %broadcast_in_dim3A_459, %mul3A_439 : vector<64x128xi1>, vector<64x128xf32>
    %concatenate3A_461 = tpu.concatenate %select_n3A, %select_n3A_68, %select_n3A_96, %select_n3A_124, %select_n3A_152, %select_n3A_180, %select_n3A_208, %select_n3A_236, %select_n3A_264, %select_n3A_292, %select_n3A_320, %select_n3A_348, %select_n3A_376, %select_n3A_404, %select_n3A_432, %select_n3A_460 in 0 : vector<64x128xf32>, vector<64x128xf32>, vector<64x128xf32>, vector<64x128xf32>, vector<64x128xf32>, vector<64x128xf32>, vector<64x128xf32>, vector<64x128xf32>, vector<64x128xf32>, vector<64x128xf32>, vector<64x128xf32>, vector<64x128xf32>, vector<64x128xf32>, vector<64x128xf32>, vector<64x128xf32>, vector<64x128xf32> -> vector<1024x128xf32>
    %reduce_max3A = arith.constant dense<0xFF800000> : vector<1024xf32>
    %reduce_max3A_462 = vector.multi_reduction <maximumf>, %concatenate3A_461, %reduce_max3A [1] : vector<1024x128xf32> to vector<1024xf32>
    %broadcast_in_dim3A_463 = vector.shape_cast %reduce_max3A_462 : vector<1024xf32> to vector<1024x1xf32>
    %sub3A = vector.broadcast %broadcast_in_dim3A_463 : vector<1024x1xf32> to vector<1024x128xf32>
    %sub3A_464 = arith.subf %concatenate3A_461, %sub3A : vector<1024x128xf32>
    %exp3A = math.exp %sub3A_464 : vector<1024x128xf32>
    %reduce_sum3A_465 = arith.constant dense<0.000000e+00> : vector<1024xf32>
    %reduce_sum3A_466 = vector.multi_reduction <add>, %exp3A, %reduce_sum3A_465 [1] : vector<1024x128xf32> to vector<1024xf32>
    %broadcast_in_dim3A_467 = vector.shape_cast %reduce_sum3A_466 : vector<1024xf32> to vector<1024x1xf32>
    %log3A = math.log %broadcast_in_dim3A_467 : vector<1024x1xf32>
    %add3A = arith.addf %broadcast_in_dim3A_463, %log3A : vector<1024x1xf32>
    %div3A_468 = arith.constant 1.000000e+00 : f32
    %div3A_469 = vector.broadcast %div3A_468 : f32 to vector<1024x1xf32>
    %div3A_470 = arith.divf %div3A_469, %broadcast_in_dim3A_467 : vector<1024x1xf32>
    %mul3A_471 = vector.broadcast %div3A_470 : vector<1024x1xf32> to vector<1024x128xf32>
    %mul3A_472 = arith.mulf %exp3A, %mul3A_471 : vector<1024x128xf32>
    %slice3A_473 = vector.extract_strided_slice %mul3A_472 {offsets = [0, 0], sizes = [64, 128], strides = [1, 1]} : vector<1024x128xf32> to vector<64x128xf32>
    %slice3A_474 = vector.extract_strided_slice %slice3A_12 {offsets = [0, 0], sizes = [128, 64], strides = [1, 1]} : vector<1088x64xf32> to vector<128x64xf32>
    %dot_general3A_475 = arith.constant dense<0.000000e+00> : vector<64x64xf32>
    %dot_general3A_476 = tpu.matmul %slice3A_473, %slice3A_474, %dot_general3A_475 {dimension_numbers = #tpu.dot_dimension_numbers<[1], [0], [0], [1], [0, 0, 1, 1], [], []>, transpose_lhs_hint = false} : vector<64x128xf32>, vector<128x64xf32>, vector<64x64xf32> -> vector<64x64xf32>
    %broadcast_in_dim3A_477 = arith.constant 0.000000e+00 : f32
    %broadcast_in_dim3A_478 = vector.broadcast %broadcast_in_dim3A_477 : f32 to vector<64x63xf32>
    %slice3A_479 = vector.extract_strided_slice %add3A {offsets = [0, 0], sizes = [64, 1], strides = [1, 1]} : vector<1024x1xf32> to vector<64x1xf32>
    %concatenate3A_480 = tpu.concatenate %dot_general3A_476, %slice3A_479, %broadcast_in_dim3A_478 in 1 : vector<64x64xf32>, vector<64x1xf32>, vector<64x63xf32> -> vector<64x128xf32>
    %swap3A = arith.constant 0 : index
    %swap3A_481 = arith.constant 0 : index
    %swap3A_482 = arith.constant 0 : index
    %swap3A_483 = arith.constant 0 : index
    %swap3A_484 = vector.load %arg6[%swap3A, %swap3A_481, %swap3A_482, %swap3A_483] : memref<1x16x64x128xf32, #tpu.memory_space<vmem>>, vector<1x1x64x128xf32>
    %swap3A_485 = vector.shape_cast %swap3A_484 : vector<1x1x64x128xf32> to vector<64x128xf32>
    %swap3A_486 = vector.shape_cast %concatenate3A_480 : vector<64x128xf32> to vector<1x1x64x128xf32>
    tpu.vector_store %arg6[%swap3A, %swap3A_481, %swap3A_482, %swap3A_483], %swap3A_486 {strides = array<i32>} : memref<1x16x64x128xf32, #tpu.memory_space<vmem>>, vector<1x1x64x128xf32>,
    %slice3A_487 = vector.extract_strided_slice %mul3A_472 {offsets = [64, 0], sizes = [64, 128], strides = [1, 1]} : vector<1024x128xf32> to vector<64x128xf32>
    %slice3A_488 = vector.extract_strided_slice %slice3A_12 {offsets = [64, 0], sizes = [128, 64], strides = [1, 1]} : vector<1088x64xf32> to vector<128x64xf32>
    %dot_general3A_489 = arith.constant dense<0.000000e+00> : vector<64x64xf32>
    %dot_general3A_490 = tpu.matmul %slice3A_487, %slice3A_488, %dot_general3A_489 {dimension_numbers = #tpu.dot_dimension_numbers<[1], [0], [0], [1], [0, 0, 1, 1], [], []>, transpose_lhs_hint = false} : vector<64x128xf32>, vector<128x64xf32>, vector<64x64xf32> -> vector<64x64xf32>
    %broadcast_in_dim3A_491 = arith.constant 0.000000e+00 : f32
    %broadcast_in_dim3A_492 = vector.broadcast %broadcast_in_dim3A_491 : f32 to vector<64x63xf32>
    %slice3A_493 = vector.extract_strided_slice %add3A {offsets = [64, 0], sizes = [64, 1], strides = [1, 1]} : vector<1024x1xf32> to vector<64x1xf32>
    %concatenate3A_494 = tpu.concatenate %dot_general3A_490, %slice3A_493, %broadcast_in_dim3A_492 in 1 : vector<64x64xf32>, vector<64x1xf32>, vector<64x63xf32> -> vector<64x128xf32>
    %swap3A_495 = arith.constant 0 : index
    %swap3A_496 = arith.constant 1 : index
    %swap3A_497 = arith.constant 0 : index
    %swap3A_498 = arith.constant 0 : index
    %swap3A_499 = vector.load %arg6[%swap3A_495, %swap3A_496, %swap3A_497, %swap3A_498] : memref<1x16x64x128xf32, #tpu.memory_space<vmem>>, vector<1x1x64x128xf32>
    %swap3A_500 = vector.shape_cast %swap3A_499 : vector<1x1x64x128xf32> to vector<64x128xf32>
    %swap3A_501 = vector.shape_cast %concatenate3A_494 : vector<64x128xf32> to vector<1x1x64x128xf32>
    tpu.vector_store %arg6[%swap3A_495, %swap3A_496, %swap3A_497, %swap3A_498], %swap3A_501 {strides = array<i32>} : memref<1x16x64x128xf32, #tpu.memory_space<vmem>>, vector<1x1x64x128xf32>,
    %slice3A_502 = vector.extract_strided_slice %mul3A_472 {offsets = [128, 0], sizes = [64, 128], strides = [1, 1]} : vector<1024x128xf32> to vector<64x128xf32>
    %slice3A_503 = vector.extract_strided_slice %slice3A_12 {offsets = [128, 0], sizes = [128, 64], strides = [1, 1]} : vector<1088x64xf32> to vector<128x64xf32>
    %dot_general3A_504 = arith.constant dense<0.000000e+00> : vector<64x64xf32>
    %dot_general3A_505 = tpu.matmul %slice3A_502, %slice3A_503, %dot_general3A_504 {dimension_numbers = #tpu.dot_dimension_numbers<[1], [0], [0], [1], [0, 0, 1, 1], [], []>, transpose_lhs_hint = false} : vector<64x128xf32>, vector<128x64xf32>, vector<64x64xf32> -> vector<64x64xf32>
    %broadcast_in_dim3A_506 = arith.constant 0.000000e+00 : f32
    %broadcast_in_dim3A_507 = vector.broadcast %broadcast_in_dim3A_506 : f32 to vector<64x63xf32>
    %slice3A_508 = vector.extract_strided_slice %add3A {offsets = [128, 0], sizes = [64, 1], strides = [1, 1]} : vector<1024x1xf32> to vector<64x1xf32>
    %concatenate3A_509 = tpu.concatenate %dot_general3A_505, %slice3A_508, %broadcast_in_dim3A_507 in 1 : vector<64x64xf32>, vector<64x1xf32>, vector<64x63xf32> -> vector<64x128xf32>
    %swap3A_510 = arith.constant 0 : index
    %swap3A_511 = arith.constant 2 : index
    %swap3A_512 = arith.constant 0 : index
    %swap3A_513 = arith.constant 0 : index
    %swap3A_514 = vector.load %arg6[%swap3A_510, %swap3A_511, %swap3A_512, %swap3A_513] : memref<1x16x64x128xf32, #tpu.memory_space<vmem>>, vector<1x1x64x128xf32>
    %swap3A_515 = vector.shape_cast %swap3A_514 : vector<1x1x64x128xf32> to vector<64x128xf32>
    %swap3A_516 = vector.shape_cast %concatenate3A_509 : vector<64x128xf32> to vector<1x1x64x128xf32>
    tpu.vector_store %arg6[%swap3A_510, %swap3A_511, %swap3A_512, %swap3A_513], %swap3A_516 {strides = array<i32>} : memref<1x16x64x128xf32, #tpu.memory_space<vmem>>, vector<1x1x64x128xf32>,
    %slice3A_517 = vector.extract_strided_slice %mul3A_472 {offsets = [192, 0], sizes = [64, 128], strides = [1, 1]} : vector<1024x128xf32> to vector<64x128xf32>
    %slice3A_518 = vector.extract_strided_slice %slice3A_12 {offsets = [192, 0], sizes = [128, 64], strides = [1, 1]} : vector<1088x64xf32> to vector<128x64xf32>
    %dot_general3A_519 = arith.constant dense<0.000000e+00> : vector<64x64xf32>
    %dot_general3A_520 = tpu.matmul %slice3A_517, %slice3A_518, %dot_general3A_519 {dimension_numbers = #tpu.dot_dimension_numbers<[1], [0], [0], [1], [0, 0, 1, 1], [], []>, transpose_lhs_hint = false} : vector<64x128xf32>, vector<128x64xf32>, vector<64x64xf32> -> vector<64x64xf32>
    %broadcast_in_dim3A_521 = arith.constant 0.000000e+00 : f32
    %broadcast_in_dim3A_522 = vector.broadcast %broadcast_in_dim3A_521 : f32 to vector<64x63xf32>
    %slice3A_523 = vector.extract_strided_slice %add3A {offsets = [192, 0], sizes = [64, 1], strides = [1, 1]} : vector<1024x1xf32> to vector<64x1xf32>
    %concatenate3A_524 = tpu.concatenate %dot_general3A_520, %slice3A_523, %broadcast_in_dim3A_522 in 1 : vector<64x64xf32>, vector<64x1xf32>, vector<64x63xf32> -> vector<64x128xf32>
    %swap3A_525 = arith.constant 0 : index
    %swap3A_526 = arith.constant 3 : index
    %swap3A_527 = arith.constant 0 : index
    %swap3A_528 = arith.constant 0 : index
    %swap3A_529 = vector.load %arg6[%swap3A_525, %swap3A_526, %swap3A_527, %swap3A_528] : memref<1x16x64x128xf32, #tpu.memory_space<vmem>>, vector<1x1x64x128xf32>
    %swap3A_530 = vector.shape_cast %swap3A_529 : vector<1x1x64x128xf32> to vector<64x128xf32>
    %swap3A_531 = vector.shape_cast %concatenate3A_524 : vector<64x128xf32> to vector<1x1x64x128xf32>
    tpu.vector_store %arg6[%swap3A_525, %swap3A_526, %swap3A_527, %swap3A_528], %swap3A_531 {strides = array<i32>} : memref<1x16x64x128xf32, #tpu.memory_space<vmem>>, vector<1x1x64x128xf32>,
    %slice3A_532 = vector.extract_strided_slice %mul3A_472 {offsets = [256, 0], sizes = [64, 128], strides = [1, 1]} : vector<1024x128xf32> to vector<64x128xf32>
    %slice3A_533 = vector.extract_strided_slice %slice3A_12 {offsets = [256, 0], sizes = [128, 64], strides = [1, 1]} : vector<1088x64xf32> to vector<128x64xf32>
    %dot_general3A_534 = arith.constant dense<0.000000e+00> : vector<64x64xf32>
    %dot_general3A_535 = tpu.matmul %slice3A_532, %slice3A_533, %dot_general3A_534 {dimension_numbers = #tpu.dot_dimension_numbers<[1], [0], [0], [1], [0, 0, 1, 1], [], []>, transpose_lhs_hint = false} : vector<64x128xf32>, vector<128x64xf32>, vector<64x64xf32> -> vector<64x64xf32>
    %broadcast_in_dim3A_536 = arith.constant 0.000000e+00 : f32
    %broadcast_in_dim3A_537 = vector.broadcast %broadcast_in_dim3A_536 : f32 to vector<64x63xf32>
    %slice3A_538 = vector.extract_strided_slice %add3A {offsets = [256, 0], sizes = [64, 1], strides = [1, 1]} : vector<1024x1xf32> to vector<64x1xf32>
    %concatenate3A_539 = tpu.concatenate %dot_general3A_535, %slice3A_538, %broadcast_in_dim3A_537 in 1 : vector<64x64xf32>, vector<64x1xf32>, vector<64x63xf32> -> vector<64x128xf32>
    %swap3A_540 = arith.constant 0 : index
    %swap3A_541 = arith.constant 4 : index
    %swap3A_542 = arith.constant 0 : index
    %swap3A_543 = arith.constant 0 : index
    %swap3A_544 = vector.load %arg6[%swap3A_540, %swap3A_541, %swap3A_542, %swap3A_543] : memref<1x16x64x128xf32, #tpu.memory_space<vmem>>, vector<1x1x64x128xf32>
    %swap3A_545 = vector.shape_cast %swap3A_544 : vector<1x1x64x128xf32> to vector<64x128xf32>
    %swap3A_546 = vector.shape_cast %concatenate3A_539 : vector<64x128xf32> to vector<1x1x64x128xf32>
    tpu.vector_store %arg6[%swap3A_540, %swap3A_541, %swap3A_542, %swap3A_543], %swap3A_546 {strides = array<i32>} : memref<1x16x64x128xf32, #tpu.memory_space<vmem>>, vector<1x1x64x128xf32>,
    %slice3A_547 = vector.extract_strided_slice %mul3A_472 {offsets = [320, 0], sizes = [64, 128], strides = [1, 1]} : vector<1024x128xf32> to vector<64x128xf32>
    %slice3A_548 = vector.extract_strided_slice %slice3A_12 {offsets = [320, 0], sizes = [128, 64], strides = [1, 1]} : vector<1088x64xf32> to vector<128x64xf32>
    %dot_general3A_549 = arith.constant dense<0.000000e+00> : vector<64x64xf32>
    %dot_general3A_550 = tpu.matmul %slice3A_547, %slice3A_548, %dot_general3A_549 {dimension_numbers = #tpu.dot_dimension_numbers<[1], [0], [0], [1], [0, 0, 1, 1], [], []>, transpose_lhs_hint = false} : vector<64x128xf32>, vector<128x64xf32>, vector<64x64xf32> -> vector<64x64xf32>
    %broadcast_in_dim3A_551 = arith.constant 0.000000e+00 : f32
    %broadcast_in_dim3A_552 = vector.broadcast %broadcast_in_dim3A_551 : f32 to vector<64x63xf32>
    %slice3A_553 = vector.extract_strided_slice %add3A {offsets = [320, 0], sizes = [64, 1], strides = [1, 1]} : vector<1024x1xf32> to vector<64x1xf32>
    %concatenate3A_554 = tpu.concatenate %dot_general3A_550, %slice3A_553, %broadcast_in_dim3A_552 in 1 : vector<64x64xf32>, vector<64x1xf32>, vector<64x63xf32> -> vector<64x128xf32>
    %swap3A_555 = arith.constant 0 : index
    %swap3A_556 = arith.constant 5 : index
    %swap3A_557 = arith.constant 0 : index
    %swap3A_558 = arith.constant 0 : index
    %swap3A_559 = vector.load %arg6[%swap3A_555, %swap3A_556, %swap3A_557, %swap3A_558] : memref<1x16x64x128xf32, #tpu.memory_space<vmem>>, vector<1x1x64x128xf32>
    %swap3A_560 = vector.shape_cast %swap3A_559 : vector<1x1x64x128xf32> to vector<64x128xf32>
    %swap3A_561 = vector.shape_cast %concatenate3A_554 : vector<64x128xf32> to vector<1x1x64x128xf32>
    tpu.vector_store %arg6[%swap3A_555, %swap3A_556, %swap3A_557, %swap3A_558], %swap3A_561 {strides = array<i32>} : memref<1x16x64x128xf32, #tpu.memory_space<vmem>>, vector<1x1x64x128xf32>,
    %slice3A_562 = vector.extract_strided_slice %mul3A_472 {offsets = [384, 0], sizes = [64, 128], strides = [1, 1]} : vector<1024x128xf32> to vector<64x128xf32>
    %slice3A_563 = vector.extract_strided_slice %slice3A_12 {offsets = [384, 0], sizes = [128, 64], strides = [1, 1]} : vector<1088x64xf32> to vector<128x64xf32>
    %dot_general3A_564 = arith.constant dense<0.000000e+00> : vector<64x64xf32>
    %dot_general3A_565 = tpu.matmul %slice3A_562, %slice3A_563, %dot_general3A_564 {dimension_numbers = #tpu.dot_dimension_numbers<[1], [0], [0], [1], [0, 0, 1, 1], [], []>, transpose_lhs_hint = false} : vector<64x128xf32>, vector<128x64xf32>, vector<64x64xf32> -> vector<64x64xf32>
    %broadcast_in_dim3A_566 = arith.constant 0.000000e+00 : f32
    %broadcast_in_dim3A_567 = vector.broadcast %broadcast_in_dim3A_566 : f32 to vector<64x63xf32>
    %slice3A_568 = vector.extract_strided_slice %add3A {offsets = [384, 0], sizes = [64, 1], strides = [1, 1]} : vector<1024x1xf32> to vector<64x1xf32>
    %concatenate3A_569 = tpu.concatenate %dot_general3A_565, %slice3A_568, %broadcast_in_dim3A_567 in 1 : vector<64x64xf32>, vector<64x1xf32>, vector<64x63xf32> -> vector<64x128xf32>
    %swap3A_570 = arith.constant 0 : index
    %swap3A_571 = arith.constant 6 : index
    %swap3A_572 = arith.constant 0 : index
    %swap3A_573 = arith.constant 0 : index
    %swap3A_574 = vector.load %arg6[%swap3A_570, %swap3A_571, %swap3A_572, %swap3A_573] : memref<1x16x64x128xf32, #tpu.memory_space<vmem>>, vector<1x1x64x128xf32>
    %swap3A_575 = vector.shape_cast %swap3A_574 : vector<1x1x64x128xf32> to vector<64x128xf32>
    %swap3A_576 = vector.shape_cast %concatenate3A_569 : vector<64x128xf32> to vector<1x1x64x128xf32>
    tpu.vector_store %arg6[%swap3A_570, %swap3A_571, %swap3A_572, %swap3A_573], %swap3A_576 {strides = array<i32>} : memref<1x16x64x128xf32, #tpu.memory_space<vmem>>, vector<1x1x64x128xf32>,
    %slice3A_577 = vector.extract_strided_slice %mul3A_472 {offsets = [448, 0], sizes = [64, 128], strides = [1, 1]} : vector<1024x128xf32> to vector<64x128xf32>
    %slice3A_578 = vector.extract_strided_slice %slice3A_12 {offsets = [448, 0], sizes = [128, 64], strides = [1, 1]} : vector<1088x64xf32> to vector<128x64xf32>
    %dot_general3A_579 = arith.constant dense<0.000000e+00> : vector<64x64xf32>
    %dot_general3A_580 = tpu.matmul %slice3A_577, %slice3A_578, %dot_general3A_579 {dimension_numbers = #tpu.dot_dimension_numbers<[1], [0], [0], [1], [0, 0, 1, 1], [], []>, transpose_lhs_hint = false} : vector<64x128xf32>, vector<128x64xf32>, vector<64x64xf32> -> vector<64x64xf32>
    %broadcast_in_dim3A_581 = arith.constant 0.000000e+00 : f32
    %broadcast_in_dim3A_582 = vector.broadcast %broadcast_in_dim3A_581 : f32 to vector<64x63xf32>
    %slice3A_583 = vector.extract_strided_slice %add3A {offsets = [448, 0], sizes = [64, 1], strides = [1, 1]} : vector<1024x1xf32> to vector<64x1xf32>
    %concatenate3A_584 = tpu.concatenate %dot_general3A_580, %slice3A_583, %broadcast_in_dim3A_582 in 1 : vector<64x64xf32>, vector<64x1xf32>, vector<64x63xf32> -> vector<64x128xf32>
    %swap3A_585 = arith.constant 0 : index
    %swap3A_586 = arith.constant 7 : index
    %swap3A_587 = arith.constant 0 : index
    %swap3A_588 = arith.constant 0 : index
    %swap3A_589 = vector.load %arg6[%swap3A_585, %swap3A_586, %swap3A_587, %swap3A_588] : memref<1x16x64x128xf32, #tpu.memory_space<vmem>>, vector<1x1x64x128xf32>
    %swap3A_590 = vector.shape_cast %swap3A_589 : vector<1x1x64x128xf32> to vector<64x128xf32>
    %swap3A_591 = vector.shape_cast %concatenate3A_584 : vector<64x128xf32> to vector<1x1x64x128xf32>
    tpu.vector_store %arg6[%swap3A_585, %swap3A_586, %swap3A_587, %swap3A_588], %swap3A_591 {strides = array<i32>} : memref<1x16x64x128xf32, #tpu.memory_space<vmem>>, vector<1x1x64x128xf32>,
    %slice3A_592 = vector.extract_strided_slice %mul3A_472 {offsets = [512, 0], sizes = [64, 128], strides = [1, 1]} : vector<1024x128xf32> to vector<64x128xf32>
    %slice3A_593 = vector.extract_strided_slice %slice3A_12 {offsets = [512, 0], sizes = [128, 64], strides = [1, 1]} : vector<1088x64xf32> to vector<128x64xf32>
    %dot_general3A_594 = arith.constant dense<0.000000e+00> : vector<64x64xf32>
    %dot_general3A_595 = tpu.matmul %slice3A_592, %slice3A_593, %dot_general3A_594 {dimension_numbers = #tpu.dot_dimension_numbers<[1], [0], [0], [1], [0, 0, 1, 1], [], []>, transpose_lhs_hint = false} : vector<64x128xf32>, vector<128x64xf32>, vector<64x64xf32> -> vector<64x64xf32>
    %broadcast_in_dim3A_596 = arith.constant 0.000000e+00 : f32
    %broadcast_in_dim3A_597 = vector.broadcast %broadcast_in_dim3A_596 : f32 to vector<64x63xf32>
    %slice3A_598 = vector.extract_strided_slice %add3A {offsets = [512, 0], sizes = [64, 1], strides = [1, 1]} : vector<1024x1xf32> to vector<64x1xf32>
    %concatenate3A_599 = tpu.concatenate %dot_general3A_595, %slice3A_598, %broadcast_in_dim3A_597 in 1 : vector<64x64xf32>, vector<64x1xf32>, vector<64x63xf32> -> vector<64x128xf32>
    %swap3A_600 = arith.constant 0 : index
    %swap3A_601 = arith.constant 8 : index
    %swap3A_602 = arith.constant 0 : index
    %swap3A_603 = arith.constant 0 : index
    %swap3A_604 = vector.load %arg6[%swap3A_600, %swap3A_601, %swap3A_602, %swap3A_603] : memref<1x16x64x128xf32, #tpu.memory_space<vmem>>, vector<1x1x64x128xf32>
    %swap3A_605 = vector.shape_cast %swap3A_604 : vector<1x1x64x128xf32> to vector<64x128xf32>
    %swap3A_606 = vector.shape_cast %concatenate3A_599 : vector<64x128xf32> to vector<1x1x64x128xf32>
    tpu.vector_store %arg6[%swap3A_600, %swap3A_601, %swap3A_602, %swap3A_603], %swap3A_606 {strides = array<i32>} : memref<1x16x64x128xf32, #tpu.memory_space<vmem>>, vector<1x1x64x128xf32>,
    %slice3A_607 = vector.extract_strided_slice %mul3A_472 {offsets = [576, 0], sizes = [64, 128], strides = [1, 1]} : vector<1024x128xf32> to vector<64x128xf32>
    %slice3A_608 = vector.extract_strided_slice %slice3A_12 {offsets = [576, 0], sizes = [128, 64], strides = [1, 1]} : vector<1088x64xf32> to vector<128x64xf32>
    %dot_general3A_609 = arith.constant dense<0.000000e+00> : vector<64x64xf32>
    %dot_general3A_610 = tpu.matmul %slice3A_607, %slice3A_608, %dot_general3A_609 {dimension_numbers = #tpu.dot_dimension_numbers<[1], [0], [0], [1], [0, 0, 1, 1], [], []>, transpose_lhs_hint = false} : vector<64x128xf32>, vector<128x64xf32>, vector<64x64xf32> -> vector<64x64xf32>
    %broadcast_in_dim3A_611 = arith.constant 0.000000e+00 : f32
    %broadcast_in_dim3A_612 = vector.broadcast %broadcast_in_dim3A_611 : f32 to vector<64x63xf32>
    %slice3A_613 = vector.extract_strided_slice %add3A {offsets = [576, 0], sizes = [64, 1], strides = [1, 1]} : vector<1024x1xf32> to vector<64x1xf32>
    %concatenate3A_614 = tpu.concatenate %dot_general3A_610, %slice3A_613, %broadcast_in_dim3A_612 in 1 : vector<64x64xf32>, vector<64x1xf32>, vector<64x63xf32> -> vector<64x128xf32>
    %swap3A_615 = arith.constant 0 : index
    %swap3A_616 = arith.constant 9 : index
    %swap3A_617 = arith.constant 0 : index
    %swap3A_618 = arith.constant 0 : index
    %swap3A_619 = vector.load %arg6[%swap3A_615, %swap3A_616, %swap3A_617, %swap3A_618] : memref<1x16x64x128xf32, #tpu.memory_space<vmem>>, vector<1x1x64x128xf32>
    %swap3A_620 = vector.shape_cast %swap3A_619 : vector<1x1x64x128xf32> to vector<64x128xf32>
    %swap3A_621 = vector.shape_cast %concatenate3A_614 : vector<64x128xf32> to vector<1x1x64x128xf32>
    tpu.vector_store %arg6[%swap3A_615, %swap3A_616, %swap3A_617, %swap3A_618], %swap3A_621 {strides = array<i32>} : memref<1x16x64x128xf32, #tpu.memory_space<vmem>>, vector<1x1x64x128xf32>,
    %slice3A_622 = vector.extract_strided_slice %mul3A_472 {offsets = [640, 0], sizes = [64, 128], strides = [1, 1]} : vector<1024x128xf32> to vector<64x128xf32>
    %slice3A_623 = vector.extract_strided_slice %slice3A_12 {offsets = [640, 0], sizes = [128, 64], strides = [1, 1]} : vector<1088x64xf32> to vector<128x64xf32>
    %dot_general3A_624 = arith.constant dense<0.000000e+00> : vector<64x64xf32>
    %dot_general3A_625 = tpu.matmul %slice3A_622, %slice3A_623, %dot_general3A_624 {dimension_numbers = #tpu.dot_dimension_numbers<[1], [0], [0], [1], [0, 0, 1, 1], [], []>, transpose_lhs_hint = false} : vector<64x128xf32>, vector<128x64xf32>, vector<64x64xf32> -> vector<64x64xf32>
    %broadcast_in_dim3A_626 = arith.constant 0.000000e+00 : f32
    %broadcast_in_dim3A_627 = vector.broadcast %broadcast_in_dim3A_626 : f32 to vector<64x63xf32>
    %slice3A_628 = vector.extract_strided_slice %add3A {offsets = [640, 0], sizes = [64, 1], strides = [1, 1]} : vector<1024x1xf32> to vector<64x1xf32>
    %concatenate3A_629 = tpu.concatenate %dot_general3A_625, %slice3A_628, %broadcast_in_dim3A_627 in 1 : vector<64x64xf32>, vector<64x1xf32>, vector<64x63xf32> -> vector<64x128xf32>
    %swap3A_630 = arith.constant 0 : index
    %swap3A_631 = arith.constant 10 : index
    %swap3A_632 = arith.constant 0 : index
    %swap3A_633 = arith.constant 0 : index
    %swap3A_634 = vector.load %arg6[%swap3A_630, %swap3A_631, %swap3A_632, %swap3A_633] : memref<1x16x64x128xf32, #tpu.memory_space<vmem>>, vector<1x1x64x128xf32>
    %swap3A_635 = vector.shape_cast %swap3A_634 : vector<1x1x64x128xf32> to vector<64x128xf32>
    %swap3A_636 = vector.shape_cast %concatenate3A_629 : vector<64x128xf32> to vector<1x1x64x128xf32>
    tpu.vector_store %arg6[%swap3A_630, %swap3A_631, %swap3A_632, %swap3A_633], %swap3A_636 {strides = array<i32>} : memref<1x16x64x128xf32, #tpu.memory_space<vmem>>, vector<1x1x64x128xf32>,
    %slice3A_637 = vector.extract_strided_slice %mul3A_472 {offsets = [704, 0], sizes = [64, 128], strides = [1, 1]} : vector<1024x128xf32> to vector<64x128xf32>
    %slice3A_638 = vector.extract_strided_slice %slice3A_12 {offsets = [704, 0], sizes = [128, 64], strides = [1, 1]} : vector<1088x64xf32> to vector<128x64xf32>
    %dot_general3A_639 = arith.constant dense<0.000000e+00> : vector<64x64xf32>
    %dot_general3A_640 = tpu.matmul %slice3A_637, %slice3A_638, %dot_general3A_639 {dimension_numbers = #tpu.dot_dimension_numbers<[1], [0], [0], [1], [0, 0, 1, 1], [], []>, transpose_lhs_hint = false} : vector<64x128xf32>, vector<128x64xf32>, vector<64x64xf32> -> vector<64x64xf32>
    %broadcast_in_dim3A_641 = arith.constant 0.000000e+00 : f32
    %broadcast_in_dim3A_642 = vector.broadcast %broadcast_in_dim3A_641 : f32 to vector<64x63xf32>
    %slice3A_643 = vector.extract_strided_slice %add3A {offsets = [704, 0], sizes = [64, 1], strides = [1, 1]} : vector<1024x1xf32> to vector<64x1xf32>
    %concatenate3A_644 = tpu.concatenate %dot_general3A_640, %slice3A_643, %broadcast_in_dim3A_642 in 1 : vector<64x64xf32>, vector<64x1xf32>, vector<64x63xf32> -> vector<64x128xf32>
    %swap3A_645 = arith.constant 0 : index
    %swap3A_646 = arith.constant 11 : index
    %swap3A_647 = arith.constant 0 : index
    %swap3A_648 = arith.constant 0 : index
    %swap3A_649 = vector.load %arg6[%swap3A_645, %swap3A_646, %swap3A_647, %swap3A_648] : memref<1x16x64x128xf32, #tpu.memory_space<vmem>>, vector<1x1x64x128xf32>
    %swap3A_650 = vector.shape_cast %swap3A_649 : vector<1x1x64x128xf32> to vector<64x128xf32>
    %swap3A_651 = vector.shape_cast %concatenate3A_644 : vector<64x128xf32> to vector<1x1x64x128xf32>
    tpu.vector_store %arg6[%swap3A_645, %swap3A_646, %swap3A_647, %swap3A_648], %swap3A_651 {strides = array<i32>} : memref<1x16x64x128xf32, #tpu.memory_space<vmem>>, vector<1x1x64x128xf32>,
    %slice3A_652 = vector.extract_strided_slice %mul3A_472 {offsets = [768, 0], sizes = [64, 128], strides = [1, 1]} : vector<1024x128xf32> to vector<64x128xf32>
    %slice3A_653 = vector.extract_strided_slice %slice3A_12 {offsets = [768, 0], sizes = [128, 64], strides = [1, 1]} : vector<1088x64xf32> to vector<128x64xf32>
    %dot_general3A_654 = arith.constant dense<0.000000e+00> : vector<64x64xf32>
    %dot_general3A_655 = tpu.matmul %slice3A_652, %slice3A_653, %dot_general3A_654 {dimension_numbers = #tpu.dot_dimension_numbers<[1], [0], [0], [1], [0, 0, 1, 1], [], []>, transpose_lhs_hint = false} : vector<64x128xf32>, vector<128x64xf32>, vector<64x64xf32> -> vector<64x64xf32>
    %broadcast_in_dim3A_656 = arith.constant 0.000000e+00 : f32
    %broadcast_in_dim3A_657 = vector.broadcast %broadcast_in_dim3A_656 : f32 to vector<64x63xf32>
    %slice3A_658 = vector.extract_strided_slice %add3A {offsets = [768, 0], sizes = [64, 1], strides = [1, 1]} : vector<1024x1xf32> to vector<64x1xf32>
    %concatenate3A_659 = tpu.concatenate %dot_general3A_655, %slice3A_658, %broadcast_in_dim3A_657 in 1 : vector<64x64xf32>, vector<64x1xf32>, vector<64x63xf32> -> vector<64x128xf32>
    %swap3A_660 = arith.constant 0 : index
    %swap3A_661 = arith.constant 12 : index
    %swap3A_662 = arith.constant 0 : index
    %swap3A_663 = arith.constant 0 : index
    %swap3A_664 = vector.load %arg6[%swap3A_660, %swap3A_661, %swap3A_662, %swap3A_663] : memref<1x16x64x128xf32, #tpu.memory_space<vmem>>, vector<1x1x64x128xf32>
    %swap3A_665 = vector.shape_cast %swap3A_664 : vector<1x1x64x128xf32> to vector<64x128xf32>
    %swap3A_666 = vector.shape_cast %concatenate3A_659 : vector<64x128xf32> to vector<1x1x64x128xf32>
    tpu.vector_store %arg6[%swap3A_660, %swap3A_661, %swap3A_662, %swap3A_663], %swap3A_666 {strides = array<i32>} : memref<1x16x64x128xf32, #tpu.memory_space<vmem>>, vector<1x1x64x128xf32>,
    %slice3A_667 = vector.extract_strided_slice %mul3A_472 {offsets = [832, 0], sizes = [64, 128], strides = [1, 1]} : vector<1024x128xf32> to vector<64x128xf32>
    %slice3A_668 = vector.extract_strided_slice %slice3A_12 {offsets = [832, 0], sizes = [128, 64], strides = [1, 1]} : vector<1088x64xf32> to vector<128x64xf32>
    %dot_general3A_669 = arith.constant dense<0.000000e+00> : vector<64x64xf32>
    %dot_general3A_670 = tpu.matmul %slice3A_667, %slice3A_668, %dot_general3A_669 {dimension_numbers = #tpu.dot_dimension_numbers<[1], [0], [0], [1], [0, 0, 1, 1], [], []>, transpose_lhs_hint = false} : vector<64x128xf32>, vector<128x64xf32>, vector<64x64xf32> -> vector<64x64xf32>
    %broadcast_in_dim3A_671 = arith.constant 0.000000e+00 : f32
    %broadcast_in_dim3A_672 = vector.broadcast %broadcast_in_dim3A_671 : f32 to vector<64x63xf32>
    %slice3A_673 = vector.extract_strided_slice %add3A {offsets = [832, 0], sizes = [64, 1], strides = [1, 1]} : vector<1024x1xf32> to vector<64x1xf32>
    %concatenate3A_674 = tpu.concatenate %dot_general3A_670, %slice3A_673, %broadcast_in_dim3A_672 in 1 : vector<64x64xf32>, vector<64x1xf32>, vector<64x63xf32> -> vector<64x128xf32>
    %swap3A_675 = arith.constant 0 : index
    %swap3A_676 = arith.constant 13 : index
    %swap3A_677 = arith.constant 0 : index
    %swap3A_678 = arith.constant 0 : index
    %swap3A_679 = vector.load %arg6[%swap3A_675, %swap3A_676, %swap3A_677, %swap3A_678] : memref<1x16x64x128xf32, #tpu.memory_space<vmem>>, vector<1x1x64x128xf32>
    %swap3A_680 = vector.shape_cast %swap3A_679 : vector<1x1x64x128xf32> to vector<64x128xf32>
    %swap3A_681 = vector.shape_cast %concatenate3A_674 : vector<64x128xf32> to vector<1x1x64x128xf32>
    tpu.vector_store %arg6[%swap3A_675, %swap3A_676, %swap3A_677, %swap3A_678], %swap3A_681 {strides = array<i32>} : memref<1x16x64x128xf32, #tpu.memory_space<vmem>>, vector<1x1x64x128xf32>,
    %slice3A_682 = vector.extract_strided_slice %mul3A_472 {offsets = [896, 0], sizes = [64, 128], strides = [1, 1]} : vector<1024x128xf32> to vector<64x128xf32>
    %slice3A_683 = vector.extract_strided_slice %slice3A_12 {offsets = [896, 0], sizes = [128, 64], strides = [1, 1]} : vector<1088x64xf32> to vector<128x64xf32>
    %dot_general3A_684 = arith.constant dense<0.000000e+00> : vector<64x64xf32>
    %dot_general3A_685 = tpu.matmul %slice3A_682, %slice3A_683, %dot_general3A_684 {dimension_numbers = #tpu.dot_dimension_numbers<[1], [0], [0], [1], [0, 0, 1, 1], [], []>, transpose_lhs_hint = false} : vector<64x128xf32>, vector<128x64xf32>, vector<64x64xf32> -> vector<64x64xf32>
    %broadcast_in_dim3A_686 = arith.constant 0.000000e+00 : f32
    %broadcast_in_dim3A_687 = vector.broadcast %broadcast_in_dim3A_686 : f32 to vector<64x63xf32>
    %slice3A_688 = vector.extract_strided_slice %add3A {offsets = [896, 0], sizes = [64, 1], strides = [1, 1]} : vector<1024x1xf32> to vector<64x1xf32>
    %concatenate3A_689 = tpu.concatenate %dot_general3A_685, %slice3A_688, %broadcast_in_dim3A_687 in 1 : vector<64x64xf32>, vector<64x1xf32>, vector<64x63xf32> -> vector<64x128xf32>
    %swap3A_690 = arith.constant 0 : index
    %swap3A_691 = arith.constant 14 : index
    %swap3A_692 = arith.constant 0 : index
    %swap3A_693 = arith.constant 0 : index
    %swap3A_694 = vector.load %arg6[%swap3A_690, %swap3A_691, %swap3A_692, %swap3A_693] : memref<1x16x64x128xf32, #tpu.memory_space<vmem>>, vector<1x1x64x128xf32>
    %swap3A_695 = vector.shape_cast %swap3A_694 : vector<1x1x64x128xf32> to vector<64x128xf32>
    %swap3A_696 = vector.shape_cast %concatenate3A_689 : vector<64x128xf32> to vector<1x1x64x128xf32>
    tpu.vector_store %arg6[%swap3A_690, %swap3A_691, %swap3A_692, %swap3A_693], %swap3A_696 {strides = array<i32>} : memref<1x16x64x128xf32, #tpu.memory_space<vmem>>, vector<1x1x64x128xf32>,
    %slice3A_697 = vector.extract_strided_slice %mul3A_472 {offsets = [960, 0], sizes = [64, 128], strides = [1, 1]} : vector<1024x128xf32> to vector<64x128xf32>
    %slice3A_698 = vector.extract_strided_slice %slice3A_12 {offsets = [960, 0], sizes = [128, 64], strides = [1, 1]} : vector<1088x64xf32> to vector<128x64xf32>
    %dot_general3A_699 = arith.constant dense<0.000000e+00> : vector<64x64xf32>
    %dot_general3A_700 = tpu.matmul %slice3A_697, %slice3A_698, %dot_general3A_699 {dimension_numbers = #tpu.dot_dimension_numbers<[1], [0], [0], [1], [0, 0, 1, 1], [], []>, transpose_lhs_hint = false} : vector<64x128xf32>, vector<128x64xf32>, vector<64x64xf32> -> vector<64x64xf32>
    %broadcast_in_dim3A_701 = arith.constant 0.000000e+00 : f32
    %broadcast_in_dim3A_702 = vector.broadcast %broadcast_in_dim3A_701 : f32 to vector<64x63xf32>
    %slice3A_703 = vector.extract_strided_slice %add3A {offsets = [960, 0], sizes = [64, 1], strides = [1, 1]} : vector<1024x1xf32> to vector<64x1xf32>
    %concatenate3A_704 = tpu.concatenate %dot_general3A_700, %slice3A_703, %broadcast_in_dim3A_702 in 1 : vector<64x64xf32>, vector<64x1xf32>, vector<64x63xf32> -> vector<64x128xf32>
    %swap3A_705 = arith.constant 0 : index
    %swap3A_706 = arith.constant 15 : index
    %swap3A_707 = arith.constant 0 : index
    %swap3A_708 = arith.constant 0 : index
    %swap3A_709 = vector.load %arg6[%swap3A_705, %swap3A_706, %swap3A_707, %swap3A_708] : memref<1x16x64x128xf32, #tpu.memory_space<vmem>>, vector<1x1x64x128xf32>
    %swap3A_710 = vector.shape_cast %swap3A_709 : vector<1x1x64x128xf32> to vector<64x128xf32>
    %swap3A_711 = vector.shape_cast %concatenate3A_704 : vector<64x128xf32> to vector<1x1x64x128xf32>
    tpu.vector_store %arg6[%swap3A_705, %swap3A_706, %swap3A_707, %swap3A_708], %swap3A_711 {strides = array<i32>} : memref<1x16x64x128xf32, #tpu.memory_space<vmem>>, vector<1x1x64x128xf32>,
    return
  }
  func.func @transform_0(%arg0: i32, %arg1: i32) -> (i32, i32, i32, i32) {
    %c0_i32 = arith.constant 0 : i32
    %c0_i32_0 = arith.constant 0 : i32
    %c0_i32_1 = arith.constant 0 : i32
    return %arg0, %arg1, %c0_i32, %c0_i32_0 : i32, i32, i32, i32
  }
  func.func @transform_1(%arg0: i32, %arg1: i32) -> (i32, i32, i32, i32) {
    %mul3A = arith.constant 16 : i32
    %mul3A_0 = arith.muli %arg1, %mul3A : i32
    %sub3A = arith.constant 1 : i32
    %sub3A_1 = arith.subi %mul3A_0, %sub3A : i32
    %jit3A = arith.constant 256 : i32
    %eq3A = arith.constant 0 : i32
    %eq3A_2 = arith.cmpi eq, %jit3A, %eq3A : i32
    %jit3A_3 = arith.constant 1 : i32
    %select_n3A = arith.select %eq3A_2, %jit3A_3, %jit3A : i32
    %rem3A = arith.remsi %sub3A_1, %select_n3A : i32
    %ne3A = arith.constant 0 : i32
    %ne3A_4 = arith.cmpi ne, %rem3A, %ne3A : i32
    %lt3A = arith.constant 0 : i32
    %lt3A_5 = arith.cmpi slt, %rem3A, %lt3A : i32
    %lt3A_6 = arith.constant 0 : i32
    %lt3A_7 = arith.cmpi slt, %select_n3A, %lt3A_6 : i32
    %ne3A_8 = arith.xori %lt3A_5, %lt3A_7 : i1
    %and3A = arith.andi %ne3A_8, %ne3A_4 : i1
    %add3A = arith.addi %rem3A, %select_n3A : i32
    %select_n3A_9 = arith.select %and3A, %add3A, %rem3A : i32
    %c0_i32 = arith.constant 0 : i32
    %c0_i32_10 = arith.constant 0 : i32
    %c0_i32_11 = arith.constant 0 : i32
    return %arg0, %select_n3A_9, %c0_i32, %c0_i32_10 : i32, i32, i32, i32
  }
  func.func @transform_2(%arg0: i32, %arg1: i32) -> (i32, i32, i32, i32) {
    %c0_i32 = arith.constant 0 : i32
    %c0_i32_0 = arith.constant 0 : i32
    %c0_i32_1 = arith.constant 0 : i32
    return %arg0, %arg1, %c0_i32, %c0_i32_0 : i32, i32, i32, i32
  }
  func.func @transform_3(%arg0: i32, %arg1: i32) -> (i32, i32, i32, i32) {
    %mul3A = arith.constant 16 : i32
    %mul3A_0 = arith.muli %arg1, %mul3A : i32
    %sub3A = arith.constant 1 : i32
    %sub3A_1 = arith.subi %mul3A_0, %sub3A : i32
    %jit3A = arith.constant 256 : i32
    %eq3A = arith.constant 0 : i32
    %eq3A_2 = arith.cmpi eq, %jit3A, %eq3A : i32
    %jit3A_3 = arith.constant 1 : i32
    %select_n3A = arith.select %eq3A_2, %jit3A_3, %jit3A : i32
    %rem3A = arith.remsi %sub3A_1, %select_n3A : i32
    %ne3A = arith.constant 0 : i32
    %ne3A_4 = arith.cmpi ne, %rem3A, %ne3A : i32
    %lt3A = arith.constant 0 : i32
    %lt3A_5 = arith.cmpi slt, %rem3A, %lt3A : i32
    %lt3A_6 = arith.constant 0 : i32
    %lt3A_7 = arith.cmpi slt, %select_n3A, %lt3A_6 : i32
    %ne3A_8 = arith.xori %lt3A_5, %lt3A_7 : i1
    %and3A = arith.andi %ne3A_8, %ne3A_4 : i1
    %add3A = arith.addi %rem3A, %select_n3A : i32
    %select_n3A_9 = arith.select %and3A, %add3A, %rem3A : i32
    %c0_i32 = arith.constant 0 : i32
    %c0_i32_10 = arith.constant 0 : i32
    %c0_i32_11 = arith.constant 0 : i32
    return %arg0, %select_n3A_9, %c0_i32, %c0_i32_10 : i32, i32, i32, i32
  }
  func.func @transform_4(%arg0: i32, %arg1: i32) -> (i32, i32, i32, i32) {
    %c0_i32 = arith.constant 0 : i32
    %c0_i32_0 = arith.constant 0 : i32
    %c0_i32_1 = arith.constant 0 : i32
    return %arg0, %arg1, %c0_i32, %c0_i32_0 : i32, i32, i32, i32
  }
}

module attributes {stable_mosaic.version = 14 : i64} {
  func.func @_combine_body(%arg0: i32, %arg1: i32, %arg2: memref<1x4x512x128xf32, #tpu.memory_space<vmem>>, %arg3: memref<1x512x64xf32, #tpu.memory_space<vmem>>) attributes {dimension_semantics = [#tpu.dimension_semantics<arbitrary>, #tpu.dimension_semantics<arbitrary>], iteration_bounds = array<i64: 4, 8>, scalar_prefetch = 0 : i64, scratch_operands = 0 : i64, tpu.core_type = #tpu.core_type<tc>, window_params = [{transform_indices = @transform_0, window_bounds = array<i64: 1, 4, 512, 128>}, {transform_indices = @transform_1, window_bounds = array<i64: 1, 512, 64>}]} {
    %get3A = arith.constant 0 : index
    %get3A_0 = arith.constant 0 : index
    %get3A_1 = arith.constant 0 : index
    %get3A_2 = arith.constant 0 : index
    %get3A_3 = vector.load %arg2[%get3A, %get3A_0, %get3A_1, %get3A_2] : memref<1x4x512x128xf32, #tpu.memory_space<vmem>>, vector<1x4x512x128xf32>
    %get3A_4 = vector.shape_cast %get3A_3 : vector<1x4x512x128xf32> to vector<4x512x128xf32>
    %slice3A = vector.extract_strided_slice %get3A_4 {offsets = [0, 0, 64], sizes = [4, 512, 1], strides = [1, 1, 1]} : vector<4x512x128xf32> to vector<4x512x1xf32>
    %squeeze3A = vector.shape_cast %slice3A : vector<4x512x1xf32> to vector<4x512xf32>
    %reduce_max3A = arith.constant dense<0xFF800000> : vector<512xf32>
    %reduce_max3A_5 = vector.multi_reduction <maximumf>, %squeeze3A, %reduce_max3A [0] : vector<4x512xf32> to vector<512xf32>
    %broadcast_in_dim3A = vector.shape_cast %reduce_max3A_5 : vector<512xf32> to vector<1x512xf32>
    %sub3A = vector.broadcast %broadcast_in_dim3A : vector<1x512xf32> to vector<4x512xf32>
    %sub3A_6 = arith.subf %squeeze3A, %sub3A : vector<4x512xf32>
    %exp3A = math.exp %sub3A_6 : vector<4x512xf32>
    %reduce_sum3A = arith.constant dense<0.000000e+00> : vector<512xf32>
    %reduce_sum3A_7 = vector.multi_reduction <add>, %exp3A, %reduce_sum3A [0] : vector<4x512xf32> to vector<512xf32>
    %broadcast_in_dim3A_8 = vector.shape_cast %reduce_sum3A_7 : vector<512xf32> to vector<1x512xf32>
    %log3A = math.log %broadcast_in_dim3A_8 : vector<1x512xf32>
    %add3A = arith.addf %broadcast_in_dim3A, %log3A : vector<1x512xf32>
    %sub3A_9 = vector.broadcast %add3A : vector<1x512xf32> to vector<4x512xf32>
    %sub3A_10 = arith.subf %squeeze3A, %sub3A_9 : vector<4x512xf32>
    %exp3A_11 = math.exp %sub3A_10 : vector<4x512xf32>
    %slice3A_12 = vector.extract_strided_slice %get3A_4 {offsets = [0, 0, 0], sizes = [4, 512, 64], strides = [1, 1, 1]} : vector<4x512x128xf32> to vector<4x512x64xf32>
    %broadcast_in_dim3A_13 = vector.shape_cast %exp3A_11 : vector<4x512xf32> to vector<4x512x1xf32>
    %mul3A = vector.broadcast %broadcast_in_dim3A_13 : vector<4x512x1xf32> to vector<4x512x64xf32>
    %mul3A_14 = arith.mulf %slice3A_12, %mul3A : vector<4x512x64xf32>
    %reduce_sum3A_15 = arith.constant dense<0.000000e+00> : vector<512x64xf32>
    %reduce_sum3A_16 = vector.multi_reduction <add>, %mul3A_14, %reduce_sum3A_15 [0] : vector<4x512x64xf32> to vector<512x64xf32>
    %swap3A = arith.constant 0 : index
    %swap3A_17 = arith.constant 0 : index
    %swap3A_18 = arith.constant 0 : index
    %swap3A_19 = vector.load %arg3[%swap3A, %swap3A_17, %swap3A_18] : memref<1x512x64xf32, #tpu.memory_space<vmem>>, vector<1x512x64xf32>
    %swap3A_20 = vector.shape_cast %swap3A_19 : vector<1x512x64xf32> to vector<512x64xf32>
    %swap3A_21 = vector.shape_cast %reduce_sum3A_16 : vector<512x64xf32> to vector<1x512x64xf32>
    tpu.vector_store %arg3[%swap3A, %swap3A_17, %swap3A_18], %swap3A_21 {strides = array<i32>} : memref<1x512x64xf32, #tpu.memory_space<vmem>>, vector<1x512x64xf32>,
    return
  }
  func.func @transform_0(%arg0: i32, %arg1: i32) -> (i32, i32, i32, i32) {
    %c0_i32 = arith.constant 0 : i32
    %c0_i32_0 = arith.constant 0 : i32
    %c0_i32_1 = arith.constant 0 : i32
    return %arg0, %c0_i32, %arg1, %c0_i32_0 : i32, i32, i32, i32
  }
  func.func @transform_1(%arg0: i32, %arg1: i32) -> (i32, i32, i32) {
    %c0_i32 = arith.constant 0 : i32
    %c0_i32_0 = arith.constant 0 : i32
    return %arg0, %arg1, %c0_i32 : i32, i32, i32
  }
}

</mosaic_0001>

<sc_bundles>
// kernel: kernel.11.cloned.1.call-start
scs
__scs_entry_jumppad:
0x0: {  	(pc) =	sbr.rel $0x88, $3  }
0x1: {  	(tag) =	ssettag $0x0;
	lr =	simm.s32 $0x1  }
0x2: {  	[smem:$0x3F9E] =	sst lr;
	_ =	strace $0xD0000000  }
0x3: {  	_ = 	snop  }
0x4: {  	_ = 	snop  }
0x5: {  	_ = 	snop  }
0x6: {  	_ = 	snop  }
0x7: {  	_ = 	snop  }
__scs_overlays_trampoline_lowered:
0x8: {  	[smem:$0x3FAD] =	sst s0  }
0x9: {  	[smem:$0x3FAE] =	sst s1  }
0xa: {  	[smem:$0x3FAF] =	sst s2  }
0xb: {  	[smem:$0x3FB0] =	sst s3  }
0xc: {  	[smem:$0x3FB1] =	sst s4  }
0xd: {  	[smem:$0x3FB2] =	sst s5  }
0xe: {  	[smem:$0x3FB3] =	sst s6  }
0xf: {  	[smem:$0x3FB4] =	sst s7  }
0x10: {  	[smem:$0x3FB5] =	sst s8  }
0x11: {  	[smem:$0x3FB6] =	sst s9;
	s0 =	simm.s32 @!p0 $0x0  }
0x12: {  	s1 =	sld [smem:$0x3F9C];
	s0 =	simm.s32 @p0 $0x1  }
0x13: {  	[smem:$0x3FB7] =	sst s0;
	s0 =	simm.s32 @!p1 $0x0  }
0x14: {  	s2 =	sld [smem:$0x3F9B];
	s0 =	simm.s32 @p1 $0x1  }
0x15: {  	[smem:$0x3FB8] =	sst s0;
	s0 =	simm.s32 @!p2 $0x0  }
0x16: {  	s3 =	sld [smem:$0x3FDB];
	s0 =	simm.s32 @p2 $0x1  }
0x17: {  	s4 =	simm.s32 $0x1BF5;
	[smem:$0x3FBA] =	sst s0  }
0x18: {  	s0 =	sld [smem:$0x3F9D];
	_ =	swait.ge [sflag:s4], $0x0  }
0x19: {  	s7 =	sld [smem:$0x3F9E]  }
0x1a: {  	s8 =	sadd.s32 $0xFFFFE003, lr  }
0x1b: {  	s9 =	sadd.s32 $0xFFFFFEF7, lr;
	s5 =	simm.s32 $0xFFFFFFFF;
	p2 =	slt.u32 s8, $0xFFFFF086  }
0x1c: {  	p1 =	slt.u32 s9, $0xF7A;
	s5 =	simm.s32 @!p2 $0x0  }
0x1d: {  	s5 =	simm.s32 @p1 $0x1;
	p0 =	seq.s32 s7, s2  }
0x1e: {  	s7 =	smul.u32 @!p0 $0xF7A, s2;
	p2 =	seq.s32 @!p0 s5, $0x0  }
0x1f: {  	s9 =	smul.u32 $0xF7A, s1;
	s8 =	simm.s32 @!p0 $0x1BF5;
	p2 =	por !p2, p0  }
0x20: {  	[sflag:s8] =	ssyncset.s32 @!p0 $0xFFFFF086;
	s6 =	sadd.s32 @!p0 s3, s7;
	s7 =	simm.s32 @!p0 $0x108  }
0x21: {  	s3 =	sadd.s32 s3, s9;
	s6 =	sadd.s32 @!p0 $0x88, s6;
	s7 =	simm.s32 @p2 $0x1082  }
0x22: {  	[simem:s7], [sflag:s8] =	dma.local @!p0 [hbm:s6], $0xF7A  }
0x23: {  	s9 =	sor.u32 $0xD0000000, s2;
	s6 =	simm.s32 $0x108;
	_ =	swait.ge @!p0 [sflag:s8], $0x0  }
0x24: {  	s3 =	sadd.s32 $0x88, s3;
	s6 =	simm.s32 @!p1 $0x1082;
	[sflag:s4] =	ssyncset.s32 $0xFFFFF086  }
0x25: {  	[simem:s6], [sflag:s4] =	dma.local [hbm:s3], $0xF7A  }
0x26: {  	[smem:$0x3F9E] =	sst s1;
	(tag) =	ssettag s2;
	_ =	strace s9  }
0x27: {  	s1 =	sld [smem:$0x3FAE]  }
0x28: {  	s2 =	sld [smem:$0x3FAF]  }
0x29: {  	s4 =	sld [smem:$0x3FB1]  }
0x2a: {  	p0 =	seq.s32 s5, $0x0;
	s5 =	sld [smem:$0x3FB2]  }
0x2b: {  	s6 =	sld [smem:$0x3FB3]  }
0x2c: {  	s7 =	sld [smem:$0x3FB4]  }
0x2d: {  	s3 =	simm.s32 $0x108;
	s8 =	sld [smem:$0x3FB5]  }
0x2e: {  	s3 =	simm.s32 @!p0 $0x1082;
	s9 =	sld [smem:$0x3FB6]  }
0x2f: {  	lr =	sadd.s32 s0, s3;
	s0 =	sld [smem:$0x3FAD]  }
0x30: {  	s3 =	sld [smem:$0x3FB0]  }
0x31: {  	[smem:$0x3FB9] =	sst s10  }
0x32: {  	s10 =	sld [smem:$0x3FB7];
	_ =	sdelay $0x3  }
0x33: {  	p0 =	seq.s32 s10, $0x1;
	s10 =	sld [smem:$0x3FB9];
	_ =	sdelay $0x3  }
0x34: {  	[smem:$0x3FB9] =	sst s10  }
0x35: {  	s10 =	sld [smem:$0x3FB8];
	_ =	sdelay $0x3  }
0x36: {  	p1 =	seq.s32 s10, $0x1;
	s10 =	sld [smem:$0x3FB9];
	_ =	sdelay $0x3  }
0x37: {  	[smem:$0x3FB9] =	sst s10  }
0x38: {  	s10 =	sld [smem:$0x3FBA]  }
0x39: {  	_ = 	snop;
	(pc) =	sbr.ind lr, $3  }
0x3a: {  	_ = 	snop  }
0x3b: {  	_ = 	snop  }
0x3c: {  	p2 =	seq.s32 s10, $0x1;
	s10 =	sld [smem:$0x3FB9]  }
0x3d: {  	_ =	shalt  }
0x3e: {  	_ =	shalt  }
0x3f: {  	_ =	shalt  }
0x40: {  	_ =	shalt  }
0x41: {  	_ =	shalt  }
0x42: {  	_ =	shalt  }
0x43: {  	_ =	shalt  }
0x44: {  	_ =	shalt  }
0x45: {  	_ =	shalt  }
0x46: {  	_ =	shalt  }
0x47: {  	_ =	shalt  }
0x48: {  	_ =	shalt  }
0x49: {  	_ =	shalt  }
0x4a: {  	_ =	shalt  }
0x4b: {  	_ =	shalt  }
0x4c: {  	_ =	shalt  }
0x4d: {  	_ =	shalt  }
0x4e: {  	_ =	shalt  }
0x4f: {  	_ =	shalt  }
0x50: {  	_ =	shalt  }
0x51: {  	_ =	shalt  }
0x52: {  	_ =	shalt  }
0x53: {  	_ =	shalt  }
0x54: {  	_ =	shalt  }
0x55: {  	_ =	shalt  }
0x56: {  	_ =	shalt  }
0x57: {  	_ =	shalt  }
0x58: {  	_ =	shalt  }
0x59: {  	_ =	shalt  }
0x5a: {  	_ =	shalt  }
0x5b: {  	_ =	shalt  }
0x5c: {  	_ =	shalt  }
0x5d: {  	_ =	shalt  }
0x5e: {  	_ =	shalt  }
0x5f: {  	_ =	shalt  }
0x60: {  	_ =	shalt  }
0x61: {  	_ =	shalt  }
0x62: {  	_ =	shalt  }
0x63: {  	_ =	shalt  }
0x64: {  	_ =	shalt  }
0x65: {  	_ =	shalt  }
0x66: {  	_ =	shalt  }
0x67: {  	_ =	shalt  }
0x68: {  	_ =	shalt  }
0x69: {  	_ =	shalt  }
0x6a: {  	_ =	shalt  }
0x6b: {  	_ =	shalt  }
0x6c: {  	_ =	shalt  }
0x6d: {  	_ =	shalt  }
0x6e: {  	_ =	shalt  }
0x6f: {  	_ =	shalt  }
0x70: {  	_ =	shalt  }
0x71: {  	_ =	shalt  }
0x72: {  	_ =	shalt  }
0x73: {  	_ =	shalt  }
0x74: {  	_ =	shalt  }
0x75: {  	_ =	shalt  }
0x76: {  	_ =	shalt  }
0x77: {  	_ =	shalt  }
0x78: {  	_ =	shalt  }
0x79: {  	_ =	shalt  }
0x7a: {  	_ =	shalt  }
0x7b: {  	_ =	shalt  }
0x7c: {  	_ =	shalt  }
0x7d: {  	_ =	shalt  }
0x7e: {  	_ =	shalt  }
0x7f: {  	_ =	shalt  }
0x80: {  	_ =	shalt  }
0x81: {  	_ =	shalt  }
0x82: {  	_ =	shalt  }
0x83: {  	_ =	shalt  }
0x84: {  	_ =	shalt  }
0x85: {  	_ =	shalt  }
0x86: {  	_ =	shalt  }
0x87: {  	_ =	shalt  }
.Lfunc_end0:
.L_simem_size_0:
called_computation.1_lowered:
.L_overlay_start_0:
0x88: {  	s2 =	sld [smem:$0x3FD9]  }
0x89: {  	s3 =	sld [smem:$0x3FFE];
	_ =	sdelay $0x1  }
0x8a: {  	s1 =	srdreg.scid  }
0x8b: {  	s0 =	sand.u32 $0x1, s1  }
0x8c: {  	s14 =	sshll.u32 s0, $0xA;
	s2 =	sadd.s32 s3, s2  }
0x8d: {  	s2 =	sadd.s32 s2, s14  }
0x8e: {  	[smem:$0x3FC5] =	sst s2  }
0x8f: {  	_ = 	snop  }
0x90: {  	s2 =	sld [smem:$0x3FD0];
	_ =	sdelay $0x2  }
0x91: {  	s15 =	simm.s32 $0xA;
	s4 =	simm.s32 $0x10  }
0x92: {  	[smem:s4], [sflag:s15] =	dma.local [hbm:s2], $0x1  }
0x93: {  	_ =	swait.eq [sflag:s15], $0x1  }
0x94: {  	[sflag:s15] =	ssyncset.done $0x0  }
0x95: {  	[sflag:s15] =	ssyncadd.s32 $0xFFFFFFFF  }
0x96: {  	s16 =	sld [smem:$0x10];
	(tm) =	ssettm $0x1  }
0x97: {  	s17 =	sld [smem:$0x3FFB];
	_ =	sdelay $0x3  }
0x98: {  	_ =	strace s17  }
0x99: {  	s3 =	sld [smem:$0x3FFC];
	_ =	sdelay $0x3  }
0x9a: {  	_ =	strace s3  }
0x9b: {  	s3 =	sld [smem:$0x3FFD];
	_ =	sdelay $0x3  }
0x9c: {  	_ =	strace s3  }
0x9d: {  	_ =	strace $0x8FFFFFFF  }
0x9e: {  	s18 =	sld [smem:$0x3FDB];
	_ =	sdelay $0x1  }
0x9f: {  	s19 =	simm.s32 $_scs_section_size  }
0xa0: {  	s5 =	simm.s32 $_size__tile_overlayer_lowered;
	s6 =	simm.s32 $_tile_overlayer_lowered  }
0xa1: {  	s22 =	simm.s32 $0x1BFF;
	s21 =	sshll.u32 s6, $0x1;
	s3 =	sadd.s32 s19, s18  }
0xa2: {  	s7 =	simm.s32 $0x0;
	s20 =	sshll.u32 s5, $0x1;
	s5 =	sadd.s32 s21, s3  }
0xa3: {  	[timem:s7], [sflag:s22] =	dma.local [hbm:s5], s20  }
0xa4: {  	_ =	swait.ge [sflag:s22], s20  }
0xa5: {  	s4 =	ssub.s32 $0x0, s20;
	[sflag:s22] =	ssyncset.done $0x0  }
0xa6: {  	[sflag:s22] =	ssyncadd.s32 s4;
	_ =	sdelay $0x1  }
0xa7: {  	s23 =	simm.s32 $0x1B8B  }
0xa8: {  	_ =	swait.ge [sflag:s23], $0x1  }
0xa9: {  	[sflag:s23] =	ssyncset.done $0x0  }
0xaa: {  	s25 =	simm.s32 $0x1B8E;
	s24 =	sld [smem:$0x3FFE];
	[sflag:s23] =	ssyncadd.s32 $0xFFFFFFFF  }
0xab: {  	s26 =	simm.s32 $execute0_lowered;
	[smem:$0x3FD2] =	sst s25  }
0xac: {  	s5 =	sshll.u32 s26, $0x1;
	_ =	strace $0x80000049;
	[dreg:$0x1] =	wrdreg $0xFFFFFFFF  }
0xad: {  	s28 =	simm.s32 $_size_execute0_lowered;
	s3 =	sadd.s32 s3, s5;
	[dreg:$0x0] =	wrdreg $0x0  }
0xae: {  	s5 =	sshll.u32 s28, $0x1;
	[dreg:$0x2] =	wrdreg s3  }
0xaf: {  	[dreg:$0x3] =	wrdreg s5  }
0xb0: {  	[dreg:$0x4] =	wrdreg $0xC0  }
0xb1: {  	_ =	task [dreg:s7], $0x5FFFF  }
0xb2: {  	[dreg:$0x1] =	wrdreg $0xFFFFFFFF  }
0xb3: {  	[dreg:$0x0] =	wrdreg $0x60  }
0xb4: {  	[dreg:$0x2] =	wrdreg s24  }
0xb5: {  	[dreg:$0x3] =	wrdreg s16  }
0xb6: {  	[dreg:$0x4] =	wrdreg $0x9  }
0xb7: {  	_ =	task.clear_ibuf [dreg:s7], $0x5FFFF;
	_ =	strace $0x90000049  }
0xb8: {  	s29 =	simm.s32 $0x9;
	_ =	strace $0x8000004B  }
0xb9: {  	_ =	swait.ge [sflag:s29], $0x1  }
0xba: {  	[sflag:s29] =	ssyncadd.s32 $0xFFFFFFFF  }
0xbb: {  	_ =	strace $0x9000004B  }
0xbc: {  	_ =	sfence  }
0xbd: {  	s30 =	sld [smem:$0x0];
	_ =	sdelay $0x2  }
0xbe: {  	s31 =	sshll.u32 s1, $0xD;
	s1 =	sshrl.u32 s1, $0x2  }
0xbf: {  	s3 =	sand.u32 $0x4000, s31;
	s1 =	sadd.s32 s1, s30  }
0xc0: {  	s0 =	sor.u32 s3, s0;
	s1 =	sshll.u32 s1, $0x11  }
0xc1: {  	s0 =	sor.u32 s1, s0  }
0xc2: {  	s0 =	sadd.s32 $0x8F2B, s0  }
0xc3: {  	[sflag:s0] =	ssyncadd.remote.s32 $0x1  }
0xc4: {  	_ =	sfence.sel $0xFFFF  }
0xc5: {  	[dreg:$0x0] =	wrdreg $0xFFFFFFFF;
	(pc) =	sbr.abs _section_cstart, $3  }
0xc6: {  	[dreg:$0x1] =	wrdreg $0xFFFFFFFF  }
0xc7: {  	_ =	task.clear_ibuf [dreg:s7], $0x2FFFF;
	_ =	strace $0x9FFFFFFF  }
0xc8: {  	(tm) =	ssettm $0x7FFFFFFF  }
0xc9: {  	_ =	shalt  }
tec
execute0_lowered:
.L_overlay_start_1:
0x0: {  	(tag) =	ssettag $0x1  }
0x1: {  	s4 =	rddreg [dreg:$0x0]  }
0x2: {  	s6 =	rddreg [dreg:$0x1]  }
0x3: {  	s0 =	rddreg [dreg:$0x2];
	s2 =	simm.s32 $0x0;
	s1 =	stileid.u32  }
0x4: {  	s3 =	srdreg.scid;
	[smem:$0x7FF] =	sst s2  }
0x5: {  	s5 =	sshll.u32 s1, $0x10;
	s7 =	sand.u32 $0x1, s3;
	s3 =	sadd.s32 $0x1E00, s4  }
0x6: {  	s9 =	sshll.u32 s1, $0xC;
	_ =	strace $0x8000004A;
	s5 =	sadd.s32 s5, s4  }
0x7: {  	s29 =	ssub.s32 $0x2, s7;
	s10 =	sshll.u32 s7, $0xB;
	s7 =	sshll.u32 s7, $0xF  }
0x8: {  	s8 =	sshrl.u32 s29, $0x1;
	s30 =	sor.u32 s10, s9;
	s5 =	sadd.s32 s7, s5  }
0x9: {  	s7 =	simm.s32 $0x2;
	s9 =	simm.s32 $0x1;
	s10 =	simm.s32 $0x0  }
0xa: {  	s4 =	ssub.s32 s29, s8;
	s31 =	sshrl.u32 s30, $0x3;
	s5 =	sadd.s32 $0x43E00, s5  }
0xb: {  	s8 =	simm.s32 $0x80;
	s4 =	smax.u32 s4, $0x1;
	s6 =	sadd.s32 s31, s6  }
.LBB2_1:
0xc: {  	s11 =	sadd.s32 $0x0, s6  }
0xd: {  	[tilespmem:s2], [sflag:$0x2] =	stream.linear.gather [hbm4b:s11+s2], $0x80, $0x38;
	[tilespmem:$0x4080] =	vst v63  }
0xe: {  	_ =	swait.ge [sflag:s7], $0x80  }
0xf: {  	[sflag:s7] =	ssyncset.done $0x0  }
0x10: {  	[sflag:s7] =	ssyncadd.s32 $0xFFFFFF80  }
0x11: {  	[tilespmem:s8], [sflag:$0x1] =	stream.indirect.gather [hbm4b:s3+s8], $0x80, s2, s8, $0xb8;
	[tilespmem:$0x4080] =	vst v63  }
0x12: {  	_ =	swait.ge [sflag:s9], $0x4000  }
0x13: {  	[sflag:s9] =	ssyncset.done $0x0  }
0x14: {  	[sflag:s9] =	ssyncadd.s32 $0xFFFFC000  }
0x15: {  	[hbm4b:s5+s2] =	stream.linear.scatter [tilespmem:s8], [sflag:$0x2], $0x4000, $0x38;
	[tilespmem:$0x4080] =	vst v63  }
0x16: {  	s12 =	simm.s32 $0x10;
	_ =	swait.ge [sflag:s7], $0x4000  }
0x17: {  	s13 =	simm.s32 $0x20;
	s11 =	sadd.s32 $0x800, s5;
	[sflag:s7] =	ssyncset.done $0x0  }
.LBB2_2:
0x18: {  	s14 =	sadd.s32 s12, s6  }
0x19: {  	[sflag:s7] =	ssyncadd.s32 $0xFFFFC000;
	s12 =	smov.u32 s13;
	s15 =	sadd.s32 $0x10, s13  }
0x1a: {  	[tilespmem:s2], [sflag:$0x2] =	stream.linear.gather [hbm4b:s14+s2], $0x80, $0x38;
	[tilespmem:$0x4080] =	vst v63  }
0x1b: {  	p0 =	sne.s32 s13, $0xF0;
	_ =	swait.ge [sflag:s7], $0x80  }
0x1c: {  	[sflag:s7] =	ssyncset.done $0x0  }
0x1d: {  	[sflag:s7] =	ssyncadd.s32 $0xFFFFFF80  }
0x1e: {  	[tilespmem:s8], [sflag:$0x1] =	stream.indirect.gather [hbm4b:s3+s8], $0x80, s2, s8, $0xb8;
	[tilespmem:$0x4080] =	vst v63  }
0x1f: {  	_ =	swait.ge [sflag:s9], $0x4000  }
.Ltmp0:
0x20: {  	[sflag:s9] =	ssyncset.done $0x0;
	(pc) =	sbr.rel @p0 .LBB2_2-.Ltmp0, $4  }
0x21: {  	[sflag:s9] =	ssyncadd.s32 $0xFFFFC000  }
0x22: {  	[hbm4b:s11+s2] =	stream.linear.scatter [tilespmem:s8], [sflag:$0x2], $0x4000, $0x38;
	[tilespmem:$0x4080] =	vst v63  }
0x23: {  	_ =	swait.ge [sflag:s7], $0x4000  }
0x24: {  	s13 =	smov.u32 s15;
	s11 =	sadd.s32 $0x800, s11;
	[sflag:s7] =	ssyncset.done $0x0  }
0x25: {  	s12 =	sadd.s32 s12, s6;
	[sflag:s7] =	ssyncadd.s32 $0xFFFFC000  }
0x26: {  	[tilespmem:s2], [sflag:$0x2] =	stream.linear.gather [hbm4b:s12+s2], $0x80, $0x38;
	[tilespmem:$0x4080] =	vst v63  }
0x27: {  	_ =	swait.ge [sflag:s7], $0x80  }
0x28: {  	[sflag:s7] =	ssyncset.done $0x0  }
0x29: {  	[sflag:s7] =	ssyncadd.s32 $0xFFFFFF80  }
0x2a: {  	[tilespmem:s8], [sflag:$0x1] =	stream.indirect.gather [hbm4b:s3+s8], $0x80, s2, s8, $0xb8;
	[tilespmem:$0x4080] =	vst v63  }
0x2b: {  	s10 =	sadd.s32 $0x1, s10;
	_ =	swait.ge [sflag:s9], $0x4000  }
0x2c: {  	p0 =	sne.s32 s10, s4;
	[sflag:s9] =	ssyncset.done $0x0  }
.Ltmp1:
0x2d: {  	[sflag:s9] =	ssyncadd.s32 $0xFFFFC000;
	(pc) =	sbr.rel @p0 .LBB2_1-.Ltmp1, $4  }
0x2e: {  	[hbm4b:s11+s2] =	stream.linear.scatter [tilespmem:s8], [sflag:$0x2], $0x4000, $0x38;
	[tilespmem:$0x4080] =	vst v63  }
0x2f: {  	_ =	swait.ge [sflag:s7], $0x4000  }
0x30: {  	[sflag:s7] =	ssyncset.done $0x0  }
0x31: {  	[sflag:s7] =	ssyncadd.s32 $0xFFFFC000  }
0x32: {  	_ =	sfence.sel $0x180000  }
0x33: {  	[bflag:$0x0] =	sbarrier.arrive $0xFFFF  }
0x34: {  	p0 =	sne.s32 s1, $0x0;
	_ =	strace $0x9000004A  }
0x35: {  	s0 =	sadd.s32 @!p0 $0x100000, s0;
	[bflag:$0x2] =	sbarrier.arrive $0xFFFF  }
0x36: {  	[sflag:s0] =	ssyncadd.tile.s32 @!p0 $0x1;
	_ =	shalt  }
.Lfunc_end2:
_tile_overlayer_lowered:
.L_overlay_start_2:
0x37: {  	(tag) =	ssettag $0x2  }
0x38: {  	s0 =	rddreg [dreg:$0x0];
	s2 =	stileid.u32  }
0x39: {  	s1 =	rddreg [dreg:$0x1];
	p0 =	sne.s32 s2, $0x0  }
0x3a: {  	s3 =	rddreg [dreg:$0x2];
	[bflag:$0x3] =	sbarrier.arrive $0xFFFF;
	s2 =	simm.s32 @!p0 $0x1C02  }
0x3b: {  	[timem:s3], [sflag:s2] =	dma.local @!p0 [hbm:s0], s1  }
0x3c: {  	s0 =	simm.s32 @!p0 $0x2  }
0x3d: {  	_ =	swait.ge @!p0 [sflag:s0], s1  }
0x3e: {  	s1 =	ssub.s32 @!p0 $0x0, s1;
	[sflag:s0] =	ssyncset.done @!p0 $0x0  }
0x3f: {  	[sflag:s0] =	ssyncadd.s32 @!p0 s1  }
0x40: {  	[bflag:$0x3] =	sbarrier.arrive $0xFFFF  }
0x41: {  	_ =	shalt  }

// kernel: kernel.14.cloned.1.call-start
scs
__scs_entry_jumppad:
0x0: {  	(pc) =	sbr.rel $0x88, $3  }
0x1: {  	(tag) =	ssettag $0x0;
	lr =	simm.s32 $0x1  }
0x2: {  	[smem:$0x3F9E] =	sst lr;
	_ =	strace $0xD0000000  }
0x3: {  	_ = 	snop  }
0x4: {  	_ = 	snop  }
0x5: {  	_ = 	snop  }
0x6: {  	_ = 	snop  }
0x7: {  	_ = 	snop  }
__scs_overlays_trampoline_lowered:
0x8: {  	[smem:$0x3FAD] =	sst s0  }
0x9: {  	[smem:$0x3FAE] =	sst s1  }
0xa: {  	[smem:$0x3FAF] =	sst s2  }
0xb: {  	[smem:$0x3FB0] =	sst s3  }
0xc: {  	[smem:$0x3FB1] =	sst s4  }
0xd: {  	[smem:$0x3FB2] =	sst s5  }
0xe: {  	[smem:$0x3FB3] =	sst s6  }
0xf: {  	[smem:$0x3FB4] =	sst s7  }
0x10: {  	[smem:$0x3FB5] =	sst s8  }
0x11: {  	[smem:$0x3FB6] =	sst s9;
	s0 =	simm.s32 @!p0 $0x0  }
0x12: {  	s1 =	sld [smem:$0x3F9C];
	s0 =	simm.s32 @p0 $0x1  }
0x13: {  	[smem:$0x3FB7] =	sst s0;
	s0 =	simm.s32 @!p1 $0x0  }
0x14: {  	s2 =	sld [smem:$0x3F9B];
	s0 =	simm.s32 @p1 $0x1  }
0x15: {  	[smem:$0x3FB8] =	sst s0;
	s0 =	simm.s32 @!p2 $0x0  }
0x16: {  	s3 =	sld [smem:$0x3FDB];
	s0 =	simm.s32 @p2 $0x1  }
0x17: {  	s4 =	simm.s32 $0x1BF5;
	[smem:$0x3FBA] =	sst s0  }
0x18: {  	s0 =	sld [smem:$0x3F9D];
	_ =	swait.ge [sflag:s4], $0x0  }
0x19: {  	s7 =	sld [smem:$0x3F9E]  }
0x1a: {  	s8 =	sadd.s32 $0xFFFFE003, lr  }
0x1b: {  	s9 =	sadd.s32 $0xFFFFFEF7, lr;
	s5 =	simm.s32 $0xFFFFFFFF;
	p2 =	slt.u32 s8, $0xFFFFF086  }
0x1c: {  	p1 =	slt.u32 s9, $0xF7A;
	s5 =	simm.s32 @!p2 $0x0  }
0x1d: {  	s5 =	simm.s32 @p1 $0x1;
	p0 =	seq.s32 s7, s2  }
0x1e: {  	s7 =	smul.u32 @!p0 $0xF7A, s2;
	p2 =	seq.s32 @!p0 s5, $0x0  }
0x1f: {  	s9 =	smul.u32 $0xF7A, s1;
	s8 =	simm.s32 @!p0 $0x1BF5;
	p2 =	por !p2, p0  }
0x20: {  	[sflag:s8] =	ssyncset.s32 @!p0 $0xFFFFF086;
	s6 =	sadd.s32 @!p0 s3, s7;
	s7 =	simm.s32 @!p0 $0x108  }
0x21: {  	s3 =	sadd.s32 s3, s9;
	s6 =	sadd.s32 @!p0 $0x88, s6;
	s7 =	simm.s32 @p2 $0x1082  }
0x22: {  	[simem:s7], [sflag:s8] =	dma.local @!p0 [hbm:s6], $0xF7A  }
0x23: {  	s9 =	sor.u32 $0xD0000000, s2;
	s6 =	simm.s32 $0x108;
	_ =	swait.ge @!p0 [sflag:s8], $0x0  }
0x24: {  	s3 =	sadd.s32 $0x88, s3;
	s6 =	simm.s32 @!p1 $0x1082;
	[sflag:s4] =	ssyncset.s32 $0xFFFFF086  }
0x25: {  	[simem:s6], [sflag:s4] =	dma.local [hbm:s3], $0xF7A  }
0x26: {  	[smem:$0x3F9E] =	sst s1;
	(tag) =	ssettag s2;
	_ =	strace s9  }
0x27: {  	s1 =	sld [smem:$0x3FAE]  }
0x28: {  	s2 =	sld [smem:$0x3FAF]  }
0x29: {  	s4 =	sld [smem:$0x3FB1]  }
0x2a: {  	p0 =	seq.s32 s5, $0x0;
	s5 =	sld [smem:$0x3FB2]  }
0x2b: {  	s6 =	sld [smem:$0x3FB3]  }
0x2c: {  	s7 =	sld [smem:$0x3FB4]  }
0x2d: {  	s3 =	simm.s32 $0x108;
	s8 =	sld [smem:$0x3FB5]  }
0x2e: {  	s3 =	simm.s32 @!p0 $0x1082;
	s9 =	sld [smem:$0x3FB6]  }
0x2f: {  	lr =	sadd.s32 s0, s3;
	s0 =	sld [smem:$0x3FAD]  }
0x30: {  	s3 =	sld [smem:$0x3FB0]  }
0x31: {  	[smem:$0x3FB9] =	sst s10  }
0x32: {  	s10 =	sld [smem:$0x3FB7];
	_ =	sdelay $0x3  }
0x33: {  	p0 =	seq.s32 s10, $0x1;
	s10 =	sld [smem:$0x3FB9];
	_ =	sdelay $0x3  }
0x34: {  	[smem:$0x3FB9] =	sst s10  }
0x35: {  	s10 =	sld [smem:$0x3FB8];
	_ =	sdelay $0x3  }
0x36: {  	p1 =	seq.s32 s10, $0x1;
	s10 =	sld [smem:$0x3FB9];
	_ =	sdelay $0x3  }
0x37: {  	[smem:$0x3FB9] =	sst s10  }
0x38: {  	s10 =	sld [smem:$0x3FBA]  }
0x39: {  	_ = 	snop;
	(pc) =	sbr.ind lr, $3  }
0x3a: {  	_ = 	snop  }
0x3b: {  	_ = 	snop  }
0x3c: {  	p2 =	seq.s32 s10, $0x1;
	s10 =	sld [smem:$0x3FB9]  }
0x3d: {  	_ =	shalt  }
0x3e: {  	_ =	shalt  }
0x3f: {  	_ =	shalt  }
0x40: {  	_ =	shalt  }
0x41: {  	_ =	shalt  }
0x42: {  	_ =	shalt  }
0x43: {  	_ =	shalt  }
0x44: {  	_ =	shalt  }
0x45: {  	_ =	shalt  }
0x46: {  	_ =	shalt  }
0x47: {  	_ =	shalt  }
0x48: {  	_ =	shalt  }
0x49: {  	_ =	shalt  }
0x4a: {  	_ =	shalt  }
0x4b: {  	_ =	shalt  }
0x4c: {  	_ =	shalt  }
0x4d: {  	_ =	shalt  }
0x4e: {  	_ =	shalt  }
0x4f: {  	_ =	shalt  }
0x50: {  	_ =	shalt  }
0x51: {  	_ =	shalt  }
0x52: {  	_ =	shalt  }
0x53: {  	_ =	shalt  }
0x54: {  	_ =	shalt  }
0x55: {  	_ =	shalt  }
0x56: {  	_ =	shalt  }
0x57: {  	_ =	shalt  }
0x58: {  	_ =	shalt  }
0x59: {  	_ =	shalt  }
0x5a: {  	_ =	shalt  }
0x5b: {  	_ =	shalt  }
0x5c: {  	_ =	shalt  }
0x5d: {  	_ =	shalt  }
0x5e: {  	_ =	shalt  }
0x5f: {  	_ =	shalt  }
0x60: {  	_ =	shalt  }
0x61: {  	_ =	shalt  }
0x62: {  	_ =	shalt  }
0x63: {  	_ =	shalt  }
0x64: {  	_ =	shalt  }
0x65: {  	_ =	shalt  }
0x66: {  	_ =	shalt  }
0x67: {  	_ =	shalt  }
0x68: {  	_ =	shalt  }
0x69: {  	_ =	shalt  }
0x6a: {  	_ =	shalt  }
0x6b: {  	_ =	shalt  }
0x6c: {  	_ =	shalt  }
0x6d: {  	_ =	shalt  }
0x6e: {  	_ =	shalt  }
0x6f: {  	_ =	shalt  }
0x70: {  	_ =	shalt  }
0x71: {  	_ =	shalt  }
0x72: {  	_ =	shalt  }
0x73: {  	_ =	shalt  }
0x74: {  	_ =	shalt  }
0x75: {  	_ =	shalt  }
0x76: {  	_ =	shalt  }
0x77: {  	_ =	shalt  }
0x78: {  	_ =	shalt  }
0x79: {  	_ =	shalt  }
0x7a: {  	_ =	shalt  }
0x7b: {  	_ =	shalt  }
0x7c: {  	_ =	shalt  }
0x7d: {  	_ =	shalt  }
0x7e: {  	_ =	shalt  }
0x7f: {  	_ =	shalt  }
0x80: {  	_ =	shalt  }
0x81: {  	_ =	shalt  }
0x82: {  	_ =	shalt  }
0x83: {  	_ =	shalt  }
0x84: {  	_ =	shalt  }
0x85: {  	_ =	shalt  }
0x86: {  	_ =	shalt  }
0x87: {  	_ =	shalt  }
.Lfunc_end0:
.L_simem_size_0:
called_computation.2_lowered:
.L_overlay_start_0:
0x88: {  	s2 =	sld [smem:$0x3FD9]  }
0x89: {  	s3 =	sld [smem:$0x3FFE];
	_ =	sdelay $0x1  }
0x8a: {  	s1 =	srdreg.scid  }
0x8b: {  	s0 =	sand.u32 $0x1, s1  }
0x8c: {  	s16 =	sshll.u32 s0, $0xA;
	s2 =	sadd.s32 s3, s2  }
0x8d: {  	s2 =	sadd.s32 s2, s16  }
0x8e: {  	[smem:$0x3FC5] =	sst s2  }
0x8f: {  	_ = 	snop  }
0x90: {  	(tm) =	ssettm $0x1  }
0x91: {  	s17 =	sld [smem:$0x3FFB];
	_ =	sdelay $0x3  }
0x92: {  	_ =	strace s17  }
0x93: {  	s2 =	sld [smem:$0x3FFC];
	_ =	sdelay $0x3  }
0x94: {  	_ =	strace s2  }
0x95: {  	s2 =	sld [smem:$0x3FFD];
	_ =	sdelay $0x3  }
0x96: {  	_ =	strace s2  }
0x97: {  	_ =	strace $0x8FFFFFFF  }
0x98: {  	s18 =	sld [smem:$0x3FDB];
	_ =	sdelay $0x1  }
0x99: {  	s19 =	simm.s32 $_scs_section_size  }
0x9a: {  	s4 =	simm.s32 $_size__tile_overlayer_lowered;
	s5 =	simm.s32 $_tile_overlayer_lowered  }
0x9b: {  	s22 =	simm.s32 $0x1BFF;
	s21 =	sshll.u32 s5, $0x1;
	s2 =	sadd.s32 s19, s18  }
0x9c: {  	s6 =	simm.s32 $0x0;
	s20 =	sshll.u32 s4, $0x1;
	s4 =	sadd.s32 s21, s2  }
0x9d: {  	[timem:s6], [sflag:s22] =	dma.local [hbm:s4], s20  }
0x9e: {  	_ =	swait.ge [sflag:s22], s20  }
0x9f: {  	s3 =	ssub.s32 $0x0, s20;
	[sflag:s22] =	ssyncset.done $0x0  }
0xa0: {  	[sflag:s22] =	ssyncadd.s32 s3;
	_ =	sdelay $0x1  }
0xa1: {  	s23 =	simm.s32 $0x1B8B  }
0xa2: {  	_ =	swait.ge [sflag:s23], $0x1  }
0xa3: {  	[sflag:s23] =	ssyncset.done $0x0  }
0xa4: {  	s25 =	simm.s32 $0x1B8E;
	s24 =	sld [smem:$0x3FFE];
	[sflag:s23] =	ssyncadd.s32 $0xFFFFFFFF  }
0xa5: {  	s26 =	simm.s32 $execute0_lowered;
	[smem:$0x3FD2] =	sst s25  }
0xa6: {  	s4 =	sshll.u32 s26, $0x1;
	_ =	strace $0x8000004C;
	[dreg:$0x1] =	wrdreg $0xFFFFFFFF  }
0xa7: {  	s28 =	simm.s32 $_size_execute0_lowered;
	s2 =	sadd.s32 s2, s4;
	[dreg:$0x0] =	wrdreg $0x0  }
0xa8: {  	s4 =	sshll.u32 s28, $0x1;
	[dreg:$0x2] =	wrdreg s2  }
0xa9: {  	[dreg:$0x3] =	wrdreg s4  }
0xaa: {  	[dreg:$0x4] =	wrdreg $0xC0  }
0xab: {  	_ =	task [dreg:s6], $0x5FFFF  }
0xac: {  	[dreg:$0x1] =	wrdreg $0xFFFFFFFF  }
0xad: {  	[dreg:$0x0] =	wrdreg $0x60  }
0xae: {  	[dreg:$0x2] =	wrdreg s24  }
0xaf: {  	[dreg:$0x3] =	wrdreg $0x9  }
0xb0: {  	_ =	task.clear_ibuf [dreg:s6], $0x4FFFF;
	_ =	strace $0x9000004C  }
0xb1: {  	s29 =	simm.s32 $0x9;
	_ =	strace $0x8000004E  }
0xb2: {  	_ =	swait.ge [sflag:s29], $0x1  }
0xb3: {  	[sflag:s29] =	ssyncadd.s32 $0xFFFFFFFF  }
0xb4: {  	_ =	strace $0x9000004E  }
0xb5: {  	_ =	sfence  }
0xb6: {  	s30 =	sld [smem:$0x0];
	_ =	sdelay $0x2  }
0xb7: {  	s31 =	sshll.u32 s1, $0xD;
	s1 =	sshrl.u32 s1, $0x2  }
0xb8: {  	s3 =	sand.u32 $0x4000, s31;
	s1 =	sadd.s32 s1, s30  }
0xb9: {  	s0 =	sor.u32 s3, s0;
	s1 =	sshll.u32 s1, $0x11  }
0xba: {  	s0 =	sor.u32 s1, s0  }
0xbb: {  	s0 =	sadd.s32 $0x8F2B, s0  }
0xbc: {  	[sflag:s0] =	ssyncadd.remote.s32 $0x1  }
0xbd: {  	_ =	sfence.sel $0xFFFF  }
0xbe: {  	[dreg:$0x0] =	wrdreg $0xFFFFFFFF;
	(pc) =	sbr.abs _section_cstart, $3  }
0xbf: {  	[dreg:$0x1] =	wrdreg $0xFFFFFFFF  }
0xc0: {  	_ =	task.clear_ibuf [dreg:s6], $0x2FFFF;
	_ =	strace $0x9FFFFFFF  }
0xc1: {  	(tm) =	ssettm $0x7FFFFFFF  }
tec
execute0_lowered:
.L_overlay_start_1:
0x0: {  	(tag) =	ssettag $0x1  }
0x1: {  	s4 =	rddreg [dreg:$0x0]  }
0x2: {  	s0 =	rddreg [dreg:$0x1];
	s2 =	simm.s32 $0x0;
	s3 =	srdreg.scid  }
0x3: {  	s1 =	stileid.u32;
	s10 =	simm.s32 $0x0;
	[smem:$0x7FF] =	sst s2  }
0x4: {  	s5 =	sand.u32 $0x1, s3;
	s6 =	sshll.u32 s1, $0xC;
	s3 =	sadd.s32 $0x143E00, s4  }
0x5: {  	s8 =	sshll.u32 s1, $0x10;
	_ =	strace $0x8000004D;
	s7 =	sshll.u32 s5, $0xB  }
0x6: {  	s31 =	ssub.s32 $0x2, s5;
	s8 =	sadd.s32 s8, s4;
	s5 =	sshll.u32 s5, $0xF  }
0x7: {  	s6 =	sor.u32 s7, s6;
	s9 =	sshrl.u32 s31, $0x1;
	s5 =	sadd.s32 s5, s8  }
0x8: {  	s8 =	simm.s32 $0x80;
	s6 =	sshrl.u32 s6, $0x3;
	s7 =	ssub.s32 s31, s9  }
0x9: {  	s5 =	sadd.s32 $0x43E00, s5;
	s9 =	simm.s32 $0x1;
	s6 =	sadd.s32 s6, s4  }
0xa: {  	s4 =	smax.u32 s7, $0x1;
	s7 =	simm.s32 $0x2;
	s6 =	sadd.s32 $0x41E00, s6  }
.LBB2_1:
0xb: {  	s11 =	sadd.s32 $0x0, s6  }
0xc: {  	[tilespmem:s2], [sflag:$0x2] =	stream.linear.gather [hbm4b:s11+s2], $0x80, $0x38;
	[tilespmem:$0x4080] =	vst v63  }
0xd: {  	_ =	swait.ge [sflag:s7], $0x80  }
0xe: {  	[sflag:s7] =	ssyncset.done $0x0  }
0xf: {  	[sflag:s7] =	ssyncadd.s32 $0xFFFFFF80  }
0x10: {  	[tilespmem:s8], [sflag:$0x1] =	stream.indirect.gather [hbm4b:s3+s8], $0x80, s2, s8, $0xb8;
	[tilespmem:$0x4080] =	vst v63  }
0x11: {  	_ =	swait.ge [sflag:s9], $0x4000  }
0x12: {  	[sflag:s9] =	ssyncset.done $0x0  }
0x13: {  	[sflag:s9] =	ssyncadd.s32 $0xFFFFC000  }
0x14: {  	[hbm4b:s5+s2] =	stream.linear.scatter [tilespmem:s8], [sflag:$0x2], $0x4000, $0x38;
	[tilespmem:$0x4080] =	vst v63  }
0x15: {  	s12 =	simm.s32 $0x10;
	_ =	swait.ge [sflag:s7], $0x4000  }
0x16: {  	s13 =	simm.s32 $0x20;
	s11 =	sadd.s32 $0x800, s5;
	[sflag:s7] =	ssyncset.done $0x0  }
.LBB2_2:
0x17: {  	s14 =	sadd.s32 s12, s6  }
0x18: {  	[sflag:s7] =	ssyncadd.s32 $0xFFFFC000;
	s12 =	smov.u32 s13;
	s15 =	sadd.s32 $0x10, s13  }
0x19: {  	[tilespmem:s2], [sflag:$0x2] =	stream.linear.gather [hbm4b:s14+s2], $0x80, $0x38;
	[tilespmem:$0x4080] =	vst v63  }
0x1a: {  	p0 =	sne.s32 s13, $0xF0;
	_ =	swait.ge [sflag:s7], $0x80  }
0x1b: {  	[sflag:s7] =	ssyncset.done $0x0  }
0x1c: {  	[sflag:s7] =	ssyncadd.s32 $0xFFFFFF80  }
0x1d: {  	[tilespmem:s8], [sflag:$0x1] =	stream.indirect.gather [hbm4b:s3+s8], $0x80, s2, s8, $0xb8;
	[tilespmem:$0x4080] =	vst v63  }
0x1e: {  	_ =	swait.ge [sflag:s9], $0x4000  }
.Ltmp0:
0x1f: {  	[sflag:s9] =	ssyncset.done $0x0;
	(pc) =	sbr.rel @p0 .LBB2_2-.Ltmp0, $4  }
0x20: {  	[sflag:s9] =	ssyncadd.s32 $0xFFFFC000  }
0x21: {  	[hbm4b:s11+s2] =	stream.linear.scatter [tilespmem:s8], [sflag:$0x2], $0x4000, $0x38;
	[tilespmem:$0x4080] =	vst v63  }
0x22: {  	_ =	swait.ge [sflag:s7], $0x4000  }
0x23: {  	s13 =	smov.u32 s15;
	s11 =	sadd.s32 $0x800, s11;
	[sflag:s7] =	ssyncset.done $0x0  }
0x24: {  	s12 =	sadd.s32 s12, s6;
	[sflag:s7] =	ssyncadd.s32 $0xFFFFC000  }
0x25: {  	[tilespmem:s2], [sflag:$0x2] =	stream.linear.gather [hbm4b:s12+s2], $0x80, $0x38;
	[tilespmem:$0x4080] =	vst v63  }
0x26: {  	_ =	swait.ge [sflag:s7], $0x80  }
0x27: {  	[sflag:s7] =	ssyncset.done $0x0  }
0x28: {  	[sflag:s7] =	ssyncadd.s32 $0xFFFFFF80  }
0x29: {  	[tilespmem:s8], [sflag:$0x1] =	stream.indirect.gather [hbm4b:s3+s8], $0x80, s2, s8, $0xb8;
	[tilespmem:$0x4080] =	vst v63  }
0x2a: {  	s10 =	sadd.s32 $0x1, s10;
	_ =	swait.ge [sflag:s9], $0x4000  }
0x2b: {  	p0 =	sne.s32 s10, s4;
	[sflag:s9] =	ssyncset.done $0x0  }
.Ltmp1:
0x2c: {  	[sflag:s9] =	ssyncadd.s32 $0xFFFFC000;
	(pc) =	sbr.rel @p0 .LBB2_1-.Ltmp1, $4  }
0x2d: {  	[hbm4b:s11+s2] =	stream.linear.scatter [tilespmem:s8], [sflag:$0x2], $0x4000, $0x38;
	[tilespmem:$0x4080] =	vst v63  }
0x2e: {  	_ =	swait.ge [sflag:s7], $0x4000  }
0x2f: {  	[sflag:s7] =	ssyncset.done $0x0  }
0x30: {  	[sflag:s7] =	ssyncadd.s32 $0xFFFFC000  }
0x31: {  	_ =	sfence.sel $0x180000  }
0x32: {  	[bflag:$0x0] =	sbarrier.arrive $0xFFFF  }
0x33: {  	p0 =	sne.s32 s1, $0x0;
	_ =	strace $0x9000004D  }
0x34: {  	s0 =	sadd.s32 @!p0 $0x100000, s0;
	[bflag:$0x2] =	sbarrier.arrive $0xFFFF  }
0x35: {  	[sflag:s0] =	ssyncadd.tile.s32 @!p0 $0x1;
	_ =	shalt  }
.Lfunc_end2:
_tile_overlayer_lowered:
.L_overlay_start_2:
0x36: {  	(tag) =	ssettag $0x2  }
0x37: {  	s0 =	rddreg [dreg:$0x0];
	s2 =	stileid.u32  }
0x38: {  	s1 =	rddreg [dreg:$0x1];
	p0 =	sne.s32 s2, $0x0  }
0x39: {  	s3 =	rddreg [dreg:$0x2];
	[bflag:$0x3] =	sbarrier.arrive $0xFFFF;
	s2 =	simm.s32 @!p0 $0x1C02  }
0x3a: {  	[timem:s3], [sflag:s2] =	dma.local @!p0 [hbm:s0], s1  }
0x3b: {  	s0 =	simm.s32 @!p0 $0x2  }
0x3c: {  	_ =	swait.ge @!p0 [sflag:s0], s1  }
0x3d: {  	s1 =	ssub.s32 @!p0 $0x0, s1;
	[sflag:s0] =	ssyncset.done @!p0 $0x0  }
0x3e: {  	[sflag:s0] =	ssyncadd.s32 @!p0 s1  }
0x3f: {  	[bflag:$0x3] =	sbarrier.arrive $0xFFFF  }
0x40: {  	_ =	shalt  }

// kernel: kernel.8.cloned.1.call-start
scs
__scs_entry_jumppad:
0x0: {  	(pc) =	sbr.rel $0x88, $3  }
0x1: {  	(tag) =	ssettag $0x0;
	lr =	simm.s32 $0x1  }
0x2: {  	[smem:$0x3F9E] =	sst lr;
	_ =	strace $0xD0000000  }
0x3: {  	_ = 	snop  }
0x4: {  	_ = 	snop  }
0x5: {  	_ = 	snop  }
0x6: {  	_ = 	snop  }
0x7: {  	_ = 	snop  }
__scs_overlays_trampoline_lowered:
0x8: {  	[smem:$0x3FAD] =	sst s0  }
0x9: {  	[smem:$0x3FAE] =	sst s1  }
0xa: {  	[smem:$0x3FAF] =	sst s2  }
0xb: {  	[smem:$0x3FB0] =	sst s3  }
0xc: {  	[smem:$0x3FB1] =	sst s4  }
0xd: {  	[smem:$0x3FB2] =	sst s5  }
0xe: {  	[smem:$0x3FB3] =	sst s6  }
0xf: {  	[smem:$0x3FB4] =	sst s7  }
0x10: {  	[smem:$0x3FB5] =	sst s8  }
0x11: {  	[smem:$0x3FB6] =	sst s9;
	s0 =	simm.s32 @!p0 $0x0  }
0x12: {  	s1 =	sld [smem:$0x3F9C];
	s0 =	simm.s32 @p0 $0x1  }
0x13: {  	[smem:$0x3FB7] =	sst s0;
	s0 =	simm.s32 @!p1 $0x0  }
0x14: {  	s2 =	sld [smem:$0x3F9B];
	s0 =	simm.s32 @p1 $0x1  }
0x15: {  	[smem:$0x3FB8] =	sst s0;
	s0 =	simm.s32 @!p2 $0x0  }
0x16: {  	s3 =	sld [smem:$0x3FDB];
	s0 =	simm.s32 @p2 $0x1  }
0x17: {  	s4 =	simm.s32 $0x1BF5;
	[smem:$0x3FBA] =	sst s0  }
0x18: {  	s0 =	sld [smem:$0x3F9D];
	_ =	swait.ge [sflag:s4], $0x0  }
0x19: {  	s7 =	sld [smem:$0x3F9E]  }
0x1a: {  	s8 =	sadd.s32 $0xFFFFE003, lr  }
0x1b: {  	s9 =	sadd.s32 $0xFFFFFEF7, lr;
	s5 =	simm.s32 $0xFFFFFFFF;
	p2 =	slt.u32 s8, $0xFFFFF086  }
0x1c: {  	p1 =	slt.u32 s9, $0xF7A;
	s5 =	simm.s32 @!p2 $0x0  }
0x1d: {  	s5 =	simm.s32 @p1 $0x1;
	p0 =	seq.s32 s7, s2  }
0x1e: {  	s7 =	smul.u32 @!p0 $0xF7A, s2;
	p2 =	seq.s32 @!p0 s5, $0x0  }
0x1f: {  	s9 =	smul.u32 $0xF7A, s1;
	s8 =	simm.s32 @!p0 $0x1BF5;
	p2 =	por !p2, p0  }
0x20: {  	[sflag:s8] =	ssyncset.s32 @!p0 $0xFFFFF086;
	s6 =	sadd.s32 @!p0 s3, s7;
	s7 =	simm.s32 @!p0 $0x108  }
0x21: {  	s3 =	sadd.s32 s3, s9;
	s6 =	sadd.s32 @!p0 $0x88, s6;
	s7 =	simm.s32 @p2 $0x1082  }
0x22: {  	[simem:s7], [sflag:s8] =	dma.local @!p0 [hbm:s6], $0xF7A  }
0x23: {  	s9 =	sor.u32 $0xD0000000, s2;
	s6 =	simm.s32 $0x108;
	_ =	swait.ge @!p0 [sflag:s8], $0x0  }
0x24: {  	s3 =	sadd.s32 $0x88, s3;
	s6 =	simm.s32 @!p1 $0x1082;
	[sflag:s4] =	ssyncset.s32 $0xFFFFF086  }
0x25: {  	[simem:s6], [sflag:s4] =	dma.local [hbm:s3], $0xF7A  }
0x26: {  	[smem:$0x3F9E] =	sst s1;
	(tag) =	ssettag s2;
	_ =	strace s9  }
0x27: {  	s1 =	sld [smem:$0x3FAE]  }
0x28: {  	s2 =	sld [smem:$0x3FAF]  }
0x29: {  	s4 =	sld [smem:$0x3FB1]  }
0x2a: {  	p0 =	seq.s32 s5, $0x0;
	s5 =	sld [smem:$0x3FB2]  }
0x2b: {  	s6 =	sld [smem:$0x3FB3]  }
0x2c: {  	s7 =	sld [smem:$0x3FB4]  }
0x2d: {  	s3 =	simm.s32 $0x108;
	s8 =	sld [smem:$0x3FB5]  }
0x2e: {  	s3 =	simm.s32 @!p0 $0x1082;
	s9 =	sld [smem:$0x3FB6]  }
0x2f: {  	lr =	sadd.s32 s0, s3;
	s0 =	sld [smem:$0x3FAD]  }
0x30: {  	s3 =	sld [smem:$0x3FB0]  }
0x31: {  	[smem:$0x3FB9] =	sst s10  }
0x32: {  	s10 =	sld [smem:$0x3FB7];
	_ =	sdelay $0x3  }
0x33: {  	p0 =	seq.s32 s10, $0x1;
	s10 =	sld [smem:$0x3FB9];
	_ =	sdelay $0x3  }
0x34: {  	[smem:$0x3FB9] =	sst s10  }
0x35: {  	s10 =	sld [smem:$0x3FB8];
	_ =	sdelay $0x3  }
0x36: {  	p1 =	seq.s32 s10, $0x1;
	s10 =	sld [smem:$0x3FB9];
	_ =	sdelay $0x3  }
0x37: {  	[smem:$0x3FB9] =	sst s10  }
0x38: {  	s10 =	sld [smem:$0x3FBA]  }
0x39: {  	_ = 	snop;
	(pc) =	sbr.ind lr, $3  }
0x3a: {  	_ = 	snop  }
0x3b: {  	_ = 	snop  }
0x3c: {  	p2 =	seq.s32 s10, $0x1;
	s10 =	sld [smem:$0x3FB9]  }
0x3d: {  	_ =	shalt  }
0x3e: {  	_ =	shalt  }
0x3f: {  	_ =	shalt  }
0x40: {  	_ =	shalt  }
0x41: {  	_ =	shalt  }
0x42: {  	_ =	shalt  }
0x43: {  	_ =	shalt  }
0x44: {  	_ =	shalt  }
0x45: {  	_ =	shalt  }
0x46: {  	_ =	shalt  }
0x47: {  	_ =	shalt  }
0x48: {  	_ =	shalt  }
0x49: {  	_ =	shalt  }
0x4a: {  	_ =	shalt  }
0x4b: {  	_ =	shalt  }
0x4c: {  	_ =	shalt  }
0x4d: {  	_ =	shalt  }
0x4e: {  	_ =	shalt  }
0x4f: {  	_ =	shalt  }
0x50: {  	_ =	shalt  }
0x51: {  	_ =	shalt  }
0x52: {  	_ =	shalt  }
0x53: {  	_ =	shalt  }
0x54: {  	_ =	shalt  }
0x55: {  	_ =	shalt  }
0x56: {  	_ =	shalt  }
0x57: {  	_ =	shalt  }
0x58: {  	_ =	shalt  }
0x59: {  	_ =	shalt  }
0x5a: {  	_ =	shalt  }
0x5b: {  	_ =	shalt  }
0x5c: {  	_ =	shalt  }
0x5d: {  	_ =	shalt  }
0x5e: {  	_ =	shalt  }
0x5f: {  	_ =	shalt  }
0x60: {  	_ =	shalt  }
0x61: {  	_ =	shalt  }
0x62: {  	_ =	shalt  }
0x63: {  	_ =	shalt  }
0x64: {  	_ =	shalt  }
0x65: {  	_ =	shalt  }
0x66: {  	_ =	shalt  }
0x67: {  	_ =	shalt  }
0x68: {  	_ =	shalt  }
0x69: {  	_ =	shalt  }
0x6a: {  	_ =	shalt  }
0x6b: {  	_ =	shalt  }
0x6c: {  	_ =	shalt  }
0x6d: {  	_ =	shalt  }
0x6e: {  	_ =	shalt  }
0x6f: {  	_ =	shalt  }
0x70: {  	_ =	shalt  }
0x71: {  	_ =	shalt  }
0x72: {  	_ =	shalt  }
0x73: {  	_ =	shalt  }
0x74: {  	_ =	shalt  }
0x75: {  	_ =	shalt  }
0x76: {  	_ =	shalt  }
0x77: {  	_ =	shalt  }
0x78: {  	_ =	shalt  }
0x79: {  	_ =	shalt  }
0x7a: {  	_ =	shalt  }
0x7b: {  	_ =	shalt  }
0x7c: {  	_ =	shalt  }
0x7d: {  	_ =	shalt  }
0x7e: {  	_ =	shalt  }
0x7f: {  	_ =	shalt  }
0x80: {  	_ =	shalt  }
0x81: {  	_ =	shalt  }
0x82: {  	_ =	shalt  }
0x83: {  	_ =	shalt  }
0x84: {  	_ =	shalt  }
0x85: {  	_ =	shalt  }
0x86: {  	_ =	shalt  }
0x87: {  	_ =	shalt  }
.Lfunc_end0:
.L_simem_size_0:
called_computation_lowered:
.L_overlay_start_0:
0x88: {  	s2 =	sld [smem:$0x3FD9]  }
0x89: {  	s3 =	sld [smem:$0x3FFE];
	_ =	sdelay $0x1  }
0x8a: {  	s1 =	srdreg.scid  }
0x8b: {  	s0 =	sand.u32 $0x1, s1  }
0x8c: {  	s14 =	sshll.u32 s0, $0xA;
	s2 =	sadd.s32 s3, s2  }
0x8d: {  	s2 =	sadd.s32 s2, s14  }
0x8e: {  	[smem:$0x3FC5] =	sst s2  }
0x8f: {  	_ = 	snop  }
0x90: {  	s2 =	sld [smem:$0x3FD0];
	_ =	sdelay $0x2  }
0x91: {  	s15 =	simm.s32 $0xA;
	s4 =	simm.s32 $0x10  }
0x92: {  	[smem:s4], [sflag:s15] =	dma.local [hbm:s2], $0x1  }
0x93: {  	_ =	swait.eq [sflag:s15], $0x1  }
0x94: {  	[sflag:s15] =	ssyncset.done $0x0  }
0x95: {  	s16 =	sld [smem:$0x10];
	[sflag:s15] =	ssyncadd.s32 $0xFFFFFFFF  }
0x96: {  	s17 =	sld [smem:$0x12];
	(tm) =	ssettm $0x1  }
0x97: {  	s18 =	sld [smem:$0x3FFB];
	_ =	sdelay $0x3  }
0x98: {  	_ =	strace s18  }
0x99: {  	s4 =	sld [smem:$0x3FFC];
	_ =	sdelay $0x3  }
0x9a: {  	_ =	strace s4  }
0x9b: {  	s4 =	sld [smem:$0x3FFD];
	_ =	sdelay $0x3  }
0x9c: {  	_ =	strace s4  }
0x9d: {  	_ =	strace $0x8FFFFFFF  }
0x9e: {  	s19 =	sld [smem:$0x3FDB];
	_ =	sdelay $0x1  }
0x9f: {  	s5 =	simm.s32 $_scs_section_size  }
0xa0: {  	s6 =	simm.s32 $_size__tile_overlayer_lowered;
	s7 =	simm.s32 $_tile_overlayer_lowered  }
0xa1: {  	s22 =	simm.s32 $0x1BFF;
	s21 =	sshll.u32 s7, $0x1;
	s4 =	sadd.s32 s5, s19  }
0xa2: {  	s8 =	simm.s32 $0x0;
	s20 =	sshll.u32 s6, $0x1;
	s6 =	sadd.s32 s21, s4  }
0xa3: {  	[timem:s8], [sflag:s22] =	dma.local [hbm:s6], s20  }
0xa4: {  	_ =	swait.ge [sflag:s22], s20  }
0xa5: {  	s5 =	ssub.s32 $0x0, s20;
	[sflag:s22] =	ssyncset.done $0x0  }
0xa6: {  	[sflag:s22] =	ssyncadd.s32 s5;
	_ =	sdelay $0x1  }
0xa7: {  	s23 =	simm.s32 $0x1B8B  }
0xa8: {  	_ =	swait.ge [sflag:s23], $0x1  }
0xa9: {  	[sflag:s23] =	ssyncset.done $0x0  }
0xaa: {  	s25 =	simm.s32 $0x1B8E;
	s24 =	sld [smem:$0x3FFE];
	[sflag:s23] =	ssyncadd.s32 $0xFFFFFFFF  }
0xab: {  	s26 =	simm.s32 $execute0_lowered;
	[smem:$0x3FD2] =	sst s25  }
0xac: {  	s6 =	sshll.u32 s26, $0x1;
	_ =	strace $0x80000046;
	[dreg:$0x1] =	wrdreg $0xFFFFFFFF  }
0xad: {  	s28 =	simm.s32 $_size_execute0_lowered;
	s4 =	sadd.s32 s4, s6;
	[dreg:$0x0] =	wrdreg $0x0  }
0xae: {  	s6 =	sshll.u32 s28, $0x1;
	[dreg:$0x2] =	wrdreg s4  }
0xaf: {  	[dreg:$0x3] =	wrdreg s6  }
0xb0: {  	[dreg:$0x4] =	wrdreg $0xC0  }
0xb1: {  	_ =	task [dreg:s8], $0x5FFFF  }
0xb2: {  	[dreg:$0x1] =	wrdreg $0xFFFFFFFF  }
0xb3: {  	[dreg:$0x0] =	wrdreg $0x60  }
0xb4: {  	[dreg:$0x2] =	wrdreg s17  }
0xb5: {  	[dreg:$0x3] =	wrdreg s24  }
0xb6: {  	[dreg:$0x4] =	wrdreg s16  }
0xb7: {  	[dreg:$0x5] =	wrdreg $0x9  }
0xb8: {  	_ =	task.clear_ibuf [dreg:s8], $0x6FFFF;
	_ =	strace $0x90000046  }
0xb9: {  	s29 =	simm.s32 $0x9;
	_ =	strace $0x80000048  }
0xba: {  	_ =	swait.ge [sflag:s29], $0x1  }
0xbb: {  	[sflag:s29] =	ssyncadd.s32 $0xFFFFFFFF  }
0xbc: {  	_ =	strace $0x90000048  }
0xbd: {  	_ =	sfence  }
0xbe: {  	s30 =	sld [smem:$0x0];
	_ =	sdelay $0x2  }
0xbf: {  	s31 =	sshll.u32 s1, $0xD;
	s1 =	sshrl.u32 s1, $0x2  }
0xc0: {  	s3 =	sand.u32 $0x4000, s31;
	s1 =	sadd.s32 s1, s30  }
0xc1: {  	s0 =	sor.u32 s3, s0;
	s1 =	sshll.u32 s1, $0x11  }
0xc2: {  	s0 =	sor.u32 s1, s0  }
0xc3: {  	s0 =	sadd.s32 $0x8F2B, s0  }
0xc4: {  	[sflag:s0] =	ssyncadd.remote.s32 $0x1  }
0xc5: {  	_ =	sfence.sel $0xFFFF  }
0xc6: {  	[dreg:$0x0] =	wrdreg $0xFFFFFFFF;
	(pc) =	sbr.abs _section_cstart, $3  }
0xc7: {  	[dreg:$0x1] =	wrdreg $0xFFFFFFFF  }
0xc8: {  	_ =	task.clear_ibuf [dreg:s8], $0x2FFFF;
	_ =	strace $0x9FFFFFFF  }
0xc9: {  	(tm) =	ssettm $0x7FFFFFFF  }
tec
execute0_lowered:
.L_overlay_start_1:
0x0: {  	(tag) =	ssettag $0x1  }
0x1: {  	s1 =	stileid.u32  }
0x2: {  	p0 =	sgt.u32 s1, $0x7  }
.Ltmp0:
0x3: {  	s4 =	rddreg [dreg:$0x0];
	(pc) =	sbr.rel @p0 .LBB2_19-.Ltmp0, $4  }
0x4: {  	s3 =	rddreg [dreg:$0x1]  }
0x5: {  	s5 =	rddreg [dreg:$0x2];
	s2 =	simm.s32 $0x0  }
0x6: {  	[smem:$0x7FF] =	sst s2  }
0x7: {  	s0 =	rddreg [dreg:$0x3];
	_ =	strace $0x80000047  }
0x8: {  	s6 =	srdreg.scid;
	s7 =	sshll.u32 s1, $0x1;
	s8 =	sshrl.u32 s1, $0x1  }
0x9: {  	s13 =	simm.s32 $0x3000;
	s14 =	simm.s32 $0x0;
	s6 =	sand.u32 $0x1, s6  }
0xa: {  	s7 =	sand.u32 $0x2, s7;
	s10 =	sshll.u32 s8, $0x4;
	s8 =	sshll.u32 s8, $0xB  }
0xb: {  	s7 =	sor.u32 s6, s7;
	s6 =	ssub.s32 $0x2, s6;
	s8 =	sadd.s32 s4, s8  }
0xc: {  	s9 =	sshll.u32 s7, $0xB;
	s31 =	sshll.u32 s7, $0x6;
	s12 =	sshll.u32 s7, $0xC  }
0xd: {  	s11 =	sshrl.u32 s6, $0x1;
	s7 =	sshll.u32 s7, $0x4;
	s9 =	sor.u32 s10, s9  }
0xe: {  	s6 =	ssub.s32 s6, s11;
	s10 =	simm.s32 $0x4000;
	s11 =	simm.s32 $0x4400  }
0xf: {  	v1 =	vlaneseq.u32;
	v2 =	vmov s12;
	s12 =	simm.s32 $0x2000;
	s3 =	sadd.s32 s9, s3;
	s4 =	sadd.s32 s5, s9  }
0x10: {  	v4 =	vmul.u32 $0x100, v1;
	s5 =	sadd.s32 s7, s8;
	s6 =	smax.u32 s6, $0x1;
	s7 =	simm.s32 $0x80  }
0x11: {  	v3 =	vimm.s32 $0x0;
	v0 =	vmov s31;
	s8 =	simm.s32 $0x200;
	s9 =	simm.s32 $0x1;
	s3 =	sadd.s32 $0x41E00, s3  }
.LBB2_2:
0x12: {  	s15 =	simm.s32 $0x0  }
0x13: {  	[tilespmem:s15], [sflag:$0x1] =	stream.strided.gather [hbm4b:s5+s7], $0x1000, s8, s7, $0x38;
	[tilespmem:$0x4800] =	vst v63  }
0x14: {  	_ =	swait.ge [sflag:s9], $0x1000  }
0x15: {  	[sflag:s9] =	ssyncset.done $0x0  }
0x16: {  	s16 =	simm.s32 $0x0;
	[sflag:s9] =	ssyncadd.s32 $0xFFFFF000  }
.LBB2_3:
0x17: {  	p0 =	sne.s32 s16, $0xFC0  }
.Ltmp1:
0x18: {  	_ = 	snop;
	(pc) =	sbr.rel @p0 .LBB2_3-.Ltmp1, $3  }
0x19: {  	_ =	sdelay $0x1  }
0x1a: {  	s17 =	sshra.s32 s16, $0x2  }
0x1b: {  	s16 =	sadd.s32 $0x40, s16;
	[tilespmem:s17+$0x4000] =	vst v3  }
0x1c: {  	v5 =	vor.u32 s15, v4;
	_ =	sdelay $0x3  }
0x1d: {  	s15 =	simm.s32 $0x0  }
0x1e: {  	v5 =	vld.idx.msk [tilespmem:v5+s15+$0x0], $0xffff;
	_ =	sdelay $0x4  }
0x1f: {  	v5 =	vsub.s32 v5, v0  }
0x20: {  	v5 =	vshll.u32 v5, $0x4  }
0x21: {  	v5 =	vor.u32 v1, v5;
	_ =	sdelay $0x4  }
0x22: {  	v6 =	vld.idx.msk [tilespmem:v5+s10+$0x0], $0xffff  }
0x23: {  	s16 =	simm.s32 $0x1  }
0x24: {  	v7 =	vor.u32 s16, v4;
	_ =	sdelay $0x1  }
0x25: {  	s16 =	simm.s32 $0x1000  }
0x26: {  	[tilespmem:s16+$0x0] =	vst v6;
	v6 =	vadd.s32 $0x1, v6  }
0x27: {  	[tilespmem:v5+s10+$0x0] =	vst.idx.msk $0xffff, v6  }
0x28: {  	v5 =	vld.idx.msk [tilespmem:v7+s15+$0x0], $0xffff;
	_ =	sdelay $0x4  }
0x29: {  	v5 =	vsub.s32 v5, v0  }
0x2a: {  	v5 =	vshll.u32 v5, $0x4  }
0x2b: {  	v5 =	vor.u32 v1, v5;
	_ =	sdelay $0x4  }
0x2c: {  	v7 =	vld.idx.msk [tilespmem:v5+s10+$0x0], $0xffff  }
0x2d: {  	s17 =	simm.s32 $0x2  }
0x2e: {  	v6 =	vor.u32 s17, v4;
	s17 =	simm.s32 $0x3  }
.LBB2_5:
0x2f: {  	p0 =	sne.s32 s17, $0xFF  }
0x30: {  	s16 =	sadd.s32 $0x10, s16  }
0x31: {  	[tilespmem:s16+$0x0] =	vst v7;
	v7 =	vadd.s32 $0x1, v7  }
0x32: {  	[tilespmem:v5+s10+$0x0] =	vst.idx.msk $0xffff, v7  }
0x33: {  	v5 =	vld.idx.msk [tilespmem:v6+s15+$0x0], $0xffff;
	_ =	sdelay $0x5  }
0x34: {  	v5 =	vsub.s32 v5, v0  }
0x35: {  	v5 =	vshll.u32 v5, $0x4  }
0x36: {  	v5 =	vor.u32 v1, v5;
	_ =	sdelay $0x3  }
.Ltmp2:
0x37: {  	(pc) =	sbr.rel @p0 .LBB2_5-.Ltmp2, $2  }
0x38: {  	v7 =	vld.idx.msk [tilespmem:v5+s10+$0x0], $0xffff;
	_ =	sdelay $0x2  }
0x39: {  	v6 =	vor.u32 s17, v4;
	s17 =	sadd.s32 $0x1, s17  }
0x3a: {  	_ =	sdelay $0x1  }
0x3b: {  	s16 =	sadd.s32 $0x10, s16  }
0x3c: {  	[tilespmem:s16+$0x0] =	vst v7;
	v7 =	vadd.s32 $0x1, v7  }
0x3d: {  	s15 =	simm.s32 $0x0;
	[tilespmem:v5+s10+$0x0] =	vst.idx.msk $0xffff, v7  }
0x3e: {  	v5 =	vld.idx.msk [tilespmem:v6+s15+$0x0], $0xffff;
	_ =	sdelay $0x4  }
0x3f: {  	v5 =	vsub.s32 v5, v0  }
0x40: {  	v5 =	vshll.u32 v5, $0x4  }
0x41: {  	v5 =	vor.u32 v1, v5;
	_ =	sdelay $0x4  }
0x42: {  	v6 =	vld.idx.msk [tilespmem:v5+s10+$0x0], $0xffff;
	_ =	sdelay $0x1  }
0x43: {  	p3 =	por $0x1, $0x1  }
.Ltmp3:
0x44: {  	_ = 	snop;
	(pc) =	sbr.rel @!p3 .LBB2_7-.Ltmp3, $4  }
0x45: {  	s16 =	sadd.s32 $0x10, s16  }
0x46: {  	[tilespmem:s16+$0x0] =	vst v6;
	v6 =	vadd.s32 $0x1, v6  }
0x47: {  	s16 =	simm.s32 $0x0;
	[tilespmem:v5+s10+$0x0] =	vst.idx.msk $0xffff, v6  }
0x48: {  	p0 =	por $0x0, $0x0;
	p1 =	por $0x0, $0x0;
	p2 =	por $0x0, $0x0;
	v6 =	vld [tilespmem:s16+$0x4000]  }
0x49: {  	s17 =	simm.s32 $0x10;
	p3 =	por $0x1, $0x1  }
.Ltmp4:
0x4a: {  	v7 =	vld [tilespmem:s17+$0x4000];
	(pc) =	sbr.rel @!p3 .LBB2_9-.Ltmp4, $2  }
0x4b: {  	_ =	sdelay $0x2  }
0x4c: {  	p0 =	por $0x1, $0x1;
	(xrf0) =	vadd.scan.msk.s32 $0xffff, v6  }
0x4d: {  	_ =	sdelay $0x4  }
0x4e: {  	v8, _, _ =	vpop (xrf0)  }
0x4f: {  	(v2sf) =	vpush v8, $0xF;
	_ =	sdelay $0x4  }
0x50: {  	s20 =	simm.s32 $0x20;
	p3 =	por $0x1, $0x1  }
.Ltmp5:
0x51: {  	v13 =	vld [tilespmem:s20+$0x4000];
	(pc) =	sbr.rel @!p3 .LBB2_11-.Ltmp5, $2  }
0x52: {  	_ =	sdelay $0x2  }
0x53: {  	p1 =	por $0x1, $0x1;
	(xrf0) =	vadd.scan.msk.s32 $0xffff, v7  }
0x54: {  	_ =	sdelay $0x4  }
0x55: {  	v9, _, _ =	vpop (xrf0)  }
0x56: {  	(v2sf) =	vpush v9, $0xF;
	_ =	sdelay $0x3  }
0x57: {  	s22 =	simm.s32 $0x30;
	p3 =	por $0x1, $0x1;
	(xrf0) =	vadd.scan.msk.s32 $0xffff, v13  }
.Ltmp6:
0x58: {  	v5 =	vld [tilespmem:s22+$0x4000];
	(pc) =	sbr.rel @!p3 .LBB2_13-.Ltmp6, $3  }
0x59: {  	_ =	sdelay $0x1  }
0x5a: {  	s21 =	simm.s32 $0x100  }
0x5b: {  	p2 =	por $0x1, $0x1;
	s18 =	simm.s32 $0x0;
	v10 =	vmov v6;
	v11 =	vmov v8;
	s19 =	simm.s32 $0x0  }
.LBB2_14:
0x5c: {  	s23 =	sshra.s32 s21, $0x2;
	p3 =	sne.s32 s21, $0xFC0;
	s21 =	sadd.s32 $0x40, s21;
	(xrf0) =	vadd.scan.msk.s32 $0xffff, v5;
	v12, _, _ =	vpop (xrf0);
	v14 =	vsub.s32 s18, v10;
	v10 =	vmov v7;
	v7 =	vmov v13  }
.Ltmp7:
0x5d: {  	v13 =	vmovc v5;
	(v2sf) =	vpush v12, $0xF;
	v14 =	vadd.s32 v11, v14;
	v11 =	vmovc v9;
	v9 =	vmov v12;
	v5 =	vld [tilespmem:s23+$0x4000];
	(pc) =	sbr.rel @p3 .LBB2_14-.Ltmp7, $4  }
0x5e: {  	[tilespmem:s19+$0x4400] =	vst v14;
	s19 =	smov.u32 s17;
	s17 =	smov.u32 s20;
	s20 =	smov.u32 s22  }
0x5f: {  	s22 =	smov.u32 s23  }
0x60: {  	s23 =	spop (v2sf)  }
0x61: {  	s18 =	sadd.s32 s18, s23  }
0x62: {  	v12 =	vmov v7;
	s21 =	smov.u32 s17;
	v7 =	vmov v13;
	s17 =	smov.u32 s22  }
.LBB2_16:
0x63: {  	(xrf0) =	vadd.scan.msk.s32 $0xffff, v5  }
0x64: {  	v13, _, _ =	vpop @p0 (xrf0)  }
0x65: {  	(v2sf) =	vpush @p0 v13, $0xF;
	_ =	sdelay $0x3  }
0x66: {  	v14, _, _ =	vpop (xrf0)  }
0x67: {  	(v2sf) =	vpush v14, $0xF;
	_ =	sdelay $0x5  }
0x68: {  	s22 =	spop @p2 (v2sf)  }
0x69: {  	s23 =	simm.s32 $0x0;
	s22 =	sadd.s32 @p2 s18, s22  }
0x6a: {  	v10 =	vsub.s32 @p2 s18, v10;
	s18 =	smov.u32 @p0 s20;
	s23 =	smov.u32 @p2 s22;
	s20 =	spop @p1 (v2sf)  }
0x6b: {  	v6 =	vpsel p0, v7, v6;
	v7 =	vmovc @p1 v9;
	v10 =	vadd.s32 @p2 v11, v10;
	v11 =	vmov @p1 v12;
	s16 =	smov.u32 @p0 s18;
	s18 =	sadd.s32 @p1 s23, s20;
	s20 =	simm.s32 $0x0  }
0x6c: {  	v12 =	vmov @p0 v13;
	v7 =	vpsel p1, v7, v0;
	v9 =	vpsel p1, v11, v0;
	s20 =	smov.u32 @p1 s18;
	s18 =	spop @p0 (v2sf)  }
0x6d: {  	v6 =	vpsel p0, v6, v0;
	v8 =	vpsel p0, v12, v8;
	s22 =	simm.s32 $0x0;
	v9 =	vsub.s32 @p1 s23, v9;
	s18 =	sadd.s32 @p0 s20, s18  }
0x6e: {  	[tilespmem:s19+$0x4400] =	vst @p2 v10;
	s19 =	smov.u32 @p1 s21;
	v8 =	vpsel p0, v8, v0;
	v7 =	vadd.s32 @p1 v7, v9;
	v6 =	vsub.s32 @p0 s20, v6;
	s22 =	smov.u32 @p0 s18  }
0x6f: {  	s16 =	smov.u32 @p0 s16;
	[tilespmem:s19+$0x4400] =	vst @p1 v7;
	v6 =	vadd.s32 @p0 v8, v6;
	v5 =	vsub.s32 s22, v5  }
0x70: {  	[tilespmem:s16+$0x4400] =	vst @p0 v6;
	v5 =	vadd.s32 v14, v5  }
0x71: {  	s16 =	simm.s32 $0x1000;
	[tilespmem:s17+$0x4400] =	vst v5;
	s31 =	spop (v2sf)  }
.LBB2_17:
0x72: {  	v5 =	vor.u32 s15, v4;
	_ =	sdelay $0x4  }
0x73: {  	v6 =	vld.idx.msk [tilespmem:v5+s2+$0x0], $0xffff;
	_ =	sdelay $0x4  }
0x74: {  	v6 =	vsub.s32 v6, v0  }
0x75: {  	v6 =	vshll.u32 v6, $0x4  }
0x76: {  	v6 =	vor.u32 v1, v6;
	_ =	sdelay $0x3  }
0x77: {  	v7 =	vld [tilespmem:s16+$0x0]  }
0x78: {  	v6 =	vld.idx.msk [tilespmem:v6+s11+$0x0], $0xffff;
	_ =	sdelay $0x4  }
0x79: {  	v6 =	vadd.s32 v6, v7  }
0x7a: {  	p0 =	sne.s32 s15, $0xFF  }
.Ltmp8:
0x7b: {  	_ = 	snop;
	(pc) =	sbr.rel @p0 .LBB2_17-.Ltmp8, $3  }
0x7c: {  	_ =	sdelay $0x1  }
0x7d: {  	[tilespmem:v6+s12+$0x0] =	vst.idx.msk $0xffff, v5;
	v6 =	vadd.s32 v2, v6  }
0x7e: {  	s16 =	sadd.s32 $0x10, s16;
	s15 =	sadd.s32 $0x1, s15;
	[tilespmem:v5+s13+$0x0] =	vst.idx.msk $0xffff, v6  }
0x7f: {  	[hbm4b:s3+s7] =	stream.strided.scatter [tilespmem:s12], [sflag:$0x1], $0x1000, s8, s7, $0x38;
	[tilespmem:$0x4800] =	vst v63  }
0x80: {  	_ =	swait.ge [sflag:s9], $0x1000  }
0x81: {  	s14 =	sadd.s32 $0x1, s14;
	[sflag:s9] =	ssyncset.done $0x0  }
0x82: {  	p0 =	sne.s32 s14, s6;
	[sflag:s9] =	ssyncadd.s32 $0xFFFFF000  }
0x83: {  	[hbm4b:s4+s7] =	stream.strided.scatter [tilespmem:s13], [sflag:$0x1], $0x1000, s8, s7, $0x38;
	[tilespmem:$0x4800] =	vst v63  }
.Ltmp9:
0x84: {  	_ = 	snop;
	(pc) =	sbr.rel @p0 .LBB2_2-.Ltmp9, $4  }
.Ltmp10:
0x85: {  	_ = 	snop;
	(pc) =	sbr.rel @!p0 .LBB2_19-.Ltmp10, $4  }
0x86: {  	_ =	swait.ge [sflag:s9], $0x1000  }
0x87: {  	[sflag:s9] =	ssyncset.done $0x0  }
0x88: {  	[sflag:s9] =	ssyncadd.s32 $0xFFFFF000  }
0x89: {  	_ = 	snop  }
.LBB2_7:
.Ltmp11:
0x8a: {  	_ = 	snop;
	(pc) =	sbr.rel .LBB2_16-.Ltmp11, $2  }
0x8b: {  	_ =	sdelay $0x2  }
0x8c: {  	s18 =	simm.s32 $0x0;
	s17 =	simm.s32 $0x0;
	v5 =	vmov v6  }
.LBB2_9:
.Ltmp12:
0x8d: {  	(pc) =	sbr.rel .LBB2_16-.Ltmp12, $2  }
0x8e: {  	_ =	sdelay $0x2  }
0x8f: {  	v5 =	vmov v7;
	v7 =	vmov v6;
	s18 =	simm.s32 $0x0;
	s20 =	simm.s32 $0x0  }
.LBB2_11:
.Ltmp13:
0x90: {  	(pc) =	sbr.rel .LBB2_16-.Ltmp13, $3  }
0x91: {  	_ =	sdelay $0x1  }
0x92: {  	s18 =	simm.s32 $0x0  }
0x93: {  	v5 =	vmov v13;
	v12 =	vmov v6;
	v9 =	vmov v8;
	s21 =	simm.s32 $0x0;
	s20 =	simm.s32 $0x10;
	s17 =	simm.s32 $0x20  }
.LBB2_13:
.Ltmp14:
0x94: {  	(pc) =	sbr.rel .LBB2_16-.Ltmp14, $3  }
0x95: {  	_ =	sdelay $0x1  }
0x96: {  	s18 =	simm.s32 $0x0  }
0x97: {  	v12 =	vmovc v7;
	v10 =	vmov v6;
	v7 =	vmov v13;
	v11 =	vmov v8;
	s19 =	simm.s32 $0x0;
	s21 =	simm.s32 $0x10;
	s17 =	simm.s32 $0x30  }
.LBB2_19:
0x98: {  	_ =	sfence.sel $0x180000  }
0x99: {  	[bflag:$0x0] =	sbarrier.arrive $0xFFFF  }
0x9a: {  	p0 =	sne.s32 s1, $0x0;
	_ =	strace $0x90000047  }
0x9b: {  	s0 =	sadd.s32 @!p0 $0x100000, s0;
	[bflag:$0x2] =	sbarrier.arrive $0xFFFF  }
0x9c: {  	[sflag:s0] =	ssyncadd.tile.s32 @!p0 $0x1;
	_ =	shalt  }
.Lfunc_end2:
_tile_overlayer_lowered:
.L_overlay_start_2:
0x9d: {  	(tag) =	ssettag $0x2  }
0x9e: {  	s0 =	rddreg [dreg:$0x0];
	s2 =	stileid.u32  }
0x9f: {  	s1 =	rddreg [dreg:$0x1];
	p0 =	sne.s32 s2, $0x0  }
0xa0: {  	s3 =	rddreg [dreg:$0x2];
	[bflag:$0x3] =	sbarrier.arrive $0xFFFF;
	s2 =	simm.s32 @!p0 $0x1C01  }
0xa1: {  	[timem:s3], [sflag:s2] =	dma.local @!p0 [hbm:s0], s1  }
0xa2: {  	s0 =	simm.s32 @!p0 $0x1  }
0xa3: {  	_ =	swait.ge @!p0 [sflag:s0], s1  }
0xa4: {  	s1 =	ssub.s32 @!p0 $0x0, s1;
	[sflag:s0] =	ssyncset.done @!p0 $0x0  }
0xa5: {  	[sflag:s0] =	ssyncadd.s32 @!p0 s1  }
0xa6: {  	[bflag:$0x3] =	sbarrier.arrive $0xFFFF  }
0xa7: {  	_ =	shalt  }

</sc_bundles>
